<compile_context>
chip_gen: v7x
topology: tpu7x:2x2x1
jax: 0.10.2.dev20260603
libtpu: 0.0.44.dev20260713+nightly
codegen_flags: <defaults>
</compile_context>

<pallas_src>
import functools

import jax
import jax.numpy as jnp
from jax import lax
from jax.experimental import pallas as pl
from jax.experimental.pallas import tpu as pltpu
from jax.experimental.pallas import tpu_sc as plsc

_N = 10000
_E = 320000
_D = 128
_H = 128
_CW = 16
_NC = 2
_NS = 16
_NW = _NC * _NS
_EPW = _E // _NW
_C = 125
_K = _EPW // _C
_NPT = _N // _NS
_SS = 16
_NSS = _K // _SS
_EPS = 1e-5


def _colstats(y):
    m = jnp.mean(y, axis=0, keepdims=True)
    d = y - m
    v = jnp.mean(d * d, axis=0, keepdims=True)
    return m, v


def _tc1_body(x_ref, w1_ref, b1_ref, g1_ref, be1_ref, feat_ref):
    y = jnp.dot(x_ref[...], w1_ref[...], preferred_element_type=jnp.float32)
    y = y + b1_ref[...]
    m, v = _colstats(y)
    feat = (y - m) * jax.lax.rsqrt(v + _EPS) * g1_ref[...] + be1_ref[...]
    feat_ref[...] = jnp.maximum(feat, 0.0)


def _tc2_body(part_ref, cnt_ref, feat_ref, wl_ref, bl_ref, wr_ref, g2_ref,
              be2_ref, out_ref):
    agg = part_ref[0] + part_ref[1]
    cnt = cnt_ref[0, :, :1] + cnt_ref[1, :, :1]
    mean_agg = agg / jnp.maximum(cnt, 1.0)
    sage = jnp.dot(mean_agg, wl_ref[...], preferred_element_type=jnp.float32)
    sage = sage + bl_ref[...]
    sage = sage + jnp.dot(feat_ref[...], wr_ref[...],
                          preferred_element_type=jnp.float32)
    m, v = _colstats(sage)
    out_ref[...] = ((sage - m) * jax.lax.rsqrt(v + _EPS) * g2_ref[...]
                    + be2_ref[...])


def _sc_seg_body(edge_hbm, feat_hbm, out_hbm, cnt_hbm,
                 src_v, dst_v, rows_v, rows_w, ones_v, acc_sh, cnt_sh,
                 sema, semb, semc):
    c = lax.axis_index("c")
    s = lax.axis_index("s")
    wid = s * _NC + c
    src_hbm = edge_hbm.at[0]
    dst_hbm = edge_hbm.at[1]

    def _zero_row(r, _):
        for j in range(_H // 16):
            rows_v[r, pl.ds(j * 16, 16)] = jnp.zeros((16,), jnp.float32)
        ones_v[r, pl.ds(0, 16)] = jnp.zeros((16,), jnp.float32)
        return 0
    lax.fori_loop(0, _C, _zero_row, 0)
    for q in range(_NPT // _C):
        pltpu.sync_copy(rows_v, acc_sh.at[pl.ds(s * _NPT + q * _C, _C)])
        pltpu.sync_copy(ones_v, cnt_sh.at[pl.ds(s * _NPT + q * _C, _C)])

    def _ones_row(r, _):
        ones_v[r, pl.ds(0, 16)] = jnp.ones((16,), jnp.float32)
        return 0
    lax.fori_loop(0, _C, _ones_row, 0)
    plsc.subcore_barrier()

    def _super(ss, _):
        pltpu.sync_copy(src_hbm.at[wid].at[pl.ds(ss * _SS, _SS)], src_v)
        pltpu.sync_copy(dst_hbm.at[wid].at[pl.ds(ss * _SS, _SS)], dst_v)
        pltpu.async_copy(feat_hbm.at[src_v.at[0]], rows_v, sema)

        def _chunk2(i, _):
            t0 = 2 * i
            t1 = t0 + 1
            pltpu.make_async_copy(feat_hbm.at[src_v.at[t0]], rows_v,
                                  sema).wait()
            pltpu.async_copy(feat_hbm.at[src_v.at[t1]], rows_w, semb)
            pltpu.async_copy(ones_v, cnt_sh.at[dst_v.at[t0]], semc, add=True)
            pltpu.sync_copy(rows_v, acc_sh.at[dst_v.at[t0]], add=True)

            @pl.when(t0 + 2 < _SS)
            def _():
                pltpu.async_copy(feat_hbm.at[src_v.at[t0 + 2]], rows_v, sema)

            pltpu.make_async_copy(feat_hbm.at[src_v.at[t1]], rows_w,
                                  semb).wait()
            pltpu.async_copy(ones_v, cnt_sh.at[dst_v.at[t1]], semc, add=True)
            pltpu.sync_copy(rows_w, acc_sh.at[dst_v.at[t1]], add=True)
            return 0
        lax.fori_loop(0, _SS // 2, _chunk2, 0)

        def _drain(t, _):
            pltpu.make_async_copy(ones_v, cnt_sh.at[dst_v.at[t]],
                                  semc).wait()
            return 0
        lax.fori_loop(0, _SS, _drain, 0)
        return 0
    lax.fori_loop(0, _NSS, _super, 0)

    plsc.subcore_barrier()
    pltpu.sync_copy(acc_sh.at[pl.ds(s * _NPT, _NPT)],
                    out_hbm.at[c].at[pl.ds(s * _NPT, _NPT)])
    pltpu.sync_copy(cnt_sh.at[pl.ds(s * _NPT, _NPT)],
                    cnt_hbm.at[c].at[pl.ds(s * _NPT, _NPT)])


@functools.cache
def _make_sc_seg():
    return functools.partial(
        pl.kernel,
        out_type=(jax.ShapeDtypeStruct((_NC, _N, _H), jnp.float32),
                  jax.ShapeDtypeStruct((_NC, _N, _CW), jnp.float32)),
        mesh=plsc.VectorSubcoreMesh(core_axis_name="c", subcore_axis_name="s",
                                    num_cores=_NC, num_subcores=_NS),
        scratch_types=[
            pltpu.VMEM((_SS, _C), jnp.int32),
            pltpu.VMEM((_SS, _C), jnp.int32),
            pltpu.VMEM((_C, _H), jnp.float32),
            pltpu.VMEM((_C, _H), jnp.float32),
            pltpu.VMEM((_C, _CW), jnp.float32),
            pltpu.VMEM_SHARED((_N, _H), jnp.float32),
            pltpu.VMEM_SHARED((_N, _CW), jnp.float32),
            pltpu.SemaphoreType.DMA,
            pltpu.SemaphoreType.DMA,
            pltpu.SemaphoreType.DMA,
        ],
        compiler_params=pltpu.CompilerParams(use_tc_tiling_on_sc=False),
    )(_sc_seg_body)


def kernel(x, edge_index, W1, b1, g1, be1, Wl, bl, Wr, g2, be2):
    f32 = jnp.float32
    feat = pl.pallas_call(
        _tc1_body,
        out_shape=jax.ShapeDtypeStruct((_N, _H), f32),
    )(x, W1, b1.reshape(1, _H), g1.reshape(1, _H), be1.reshape(1, _H))

    edges = edge_index.reshape(2, _NW, _K, _C)
    parts, cnts = _make_sc_seg()(edges, feat)

    out_feat = pl.pallas_call(
        _tc2_body,
        out_shape=jax.ShapeDtypeStruct((_N, _H), f32),
    )(parts, cnts, feat, Wl, bl.reshape(1, _H), Wr, g2.reshape(1, _H),
      be2.reshape(1, _H))
    return (feat, out_feat)

# --- scband reference (transcript-rebuilt; emitter-appended) ---
"""Pipeline reference for scband-custom-stellar-encoder-0-7000796693090 (READ-ONLY COPY).

The authoritative reference and input builder live on the scoring server;
editing this copy changes nothing except your own understanding.
"""

import jax, jax.numpy as jnp
import numpy as np

N = 10000
E = 320000
D = 128
H = 128


def _bn(x, gamma, beta, eps=1e-5):
    m = jnp.mean(x, axis=0)
    v = jnp.var(x, axis=0)
    return (x - m) / jnp.sqrt(v + eps) * gamma + beta


def setup_inputs(seed: int = 0) -> dict:
    key = jax.random.key(seed)
    ks = jax.random.split(key, 12)
    x = jax.random.normal(ks[0], (N, D), dtype=jnp.float32)
    edge_index = jax.random.randint(ks[1], (2, E), 0, N, dtype=jnp.int32)
    # input_linear: Linear(D, H) + BatchNorm1d(H)
    W1 = jax.random.normal(ks[2], (D, H), dtype=jnp.float32) * 0.05
    b1 = jnp.zeros((H,), dtype=jnp.float32)
    g1 = jnp.ones((H,), dtype=jnp.float32)
    be1 = jnp.zeros((H,), dtype=jnp.float32)
    # SAGEConv(H, H): lin_l (applied to mean-aggregated neighbors, with bias), lin_r (root, no bias)
    Wl = jax.random.normal(ks[3], (H, H), dtype=jnp.float32) * 0.05
    bl = jnp.zeros((H,), dtype=jnp.float32)
    Wr = jax.random.normal(ks[4], (H, H), dtype=jnp.float32) * 0.05
    # BatchNorm1d(H) after graph conv
    g2 = jnp.ones((H,), dtype=jnp.float32)
    be2 = jnp.zeros((H,), dtype=jnp.float32)
    return {"x": x, "edge_index": edge_index, "W1": W1, "b1": b1, "g1": g1, "be1": be1,
            "Wl": Wl, "bl": bl, "Wr": Wr, "g2": g2, "be2": be2}


def reference(x, edge_index, W1, b1, g1, be1, Wl, bl, Wr, g2, be2):
    # feat = relu(BatchNorm(Linear(x)))
    feat = jax.nn.relu(_bn(x @ W1 + b1, g1, be1))
    # SAGEConv with mean aggregation: out = lin_l(mean_{j->i} feat_j) + lin_r(feat_i)
    src = edge_index[0]
    dst = edge_index[1]
    msgs = jnp.take(feat, src, axis=0)
    agg = jax.ops.segment_sum(msgs, dst, num_segments=N)
    cnt = jax.ops.segment_sum(jnp.ones((E,), dtype=jnp.float32), dst, num_segments=N)
    mean_agg = agg / jnp.clip(cnt, 1.0, None)[:, None]
    sage = mean_agg @ Wl + bl + feat @ Wr
    out_feat = _bn(sage, g2, be2)
    return (feat, out_feat)

if __name__ == "__main__":
    import jax
    _d = setup_inputs()
    print(jax.jit(kernel)(*tuple(_d.values())))

</pallas_src>

<mosaic_0001>
#map = affine_map<(d0, d1) -> (0, 0, 0, 0)>
#map1 = affine_map<(d0, d1) -> (0, 0)>
#map2 = affine_map<(d0, d1) -> (0, 0, 0)>
module attributes {stable_mosaic.version = 14 : i64} {
  func.func @_sc_seg_body(%arg0: i32, %arg1: i32, %arg2: memref<2x32x80x125xi32, #tpu.memory_space<hbm>>, %arg3: memref<10000x128xf32, #tpu.memory_space<hbm>>, %arg4: memref<2x10000x128xf32, #tpu.memory_space<hbm>>, %arg5: memref<2x10000x16xf32, #tpu.memory_space<hbm>>, %arg6: memref<16x125xi32, #tpu.memory_space<vmem>>, %arg7: memref<16x125xi32, #tpu.memory_space<vmem>>, %arg8: memref<125x128xf32, #tpu.memory_space<vmem>>, %arg9: memref<125x128xf32, #tpu.memory_space<vmem>>, %arg10: memref<125x16xf32, #tpu.memory_space<vmem>>, %arg11: memref<10000x128xf32, #tpu.memory_space<vmem_shared>>, %arg12: memref<10000x16xf32, #tpu.memory_space<vmem_shared>>, %arg13: memref<!tpu.dma_semaphore, #tpu.memory_space<semaphore_mem>>, %arg14: memref<!tpu.dma_semaphore, #tpu.memory_space<semaphore_mem>>, %arg15: memref<!tpu.dma_semaphore, #tpu.memory_space<semaphore_mem>>) attributes {dimension_semantics = [#tpu.dimension_semantics<core_parallel>, #tpu.dimension_semantics<subcore_parallel>], iteration_bounds = array<i64: 2, 16>, scalar_prefetch = 0 : i64, scratch_operands = 10 : i64, tpu.core_type = #tpu.core_type<sc_vector_subcore>, window_params = [{transform_indices = #map}, {transform_indices = #map1}, {transform_indices = #map2}, {transform_indices = #map2}]} {
    %mul3A = arith.constant 2 : i32
    %mul3A_0 = arith.muli %arg1, %mul3A : i32
    %add3A = arith.addi %mul3A_0, %arg0 : i32
    %scan3A = arith.constant 0 : i32
    %scan3A_1 = arith.constant 0 : i32
    %scan3A_2 = arith.constant 125 : i32
    %scan3A_3 = arith.addi %scan3A_1, %scan3A_2 : i32
    %scan3A_4 = arith.constant 1 : i32
    %scan3A_5 = scf.for %scan3A_72 = %scan3A_1 to %scan3A_3 step %scan3A_4 iter_args(%scan3A_73 = %scan3A) -> (i32)  : i32 {
      %broadcast_in_dim3A = arith.constant 0.000000e+00 : f32
      %broadcast_in_dim3A_74 = vector.broadcast %broadcast_in_dim3A : f32 to vector<16xf32>
      %swap3A = arith.index_cast %scan3A_72 : i32 to index
      %swap3A_75 = arith.constant 0 : index
      %swap3A_76 = tpu.vector_load %arg8[%swap3A, %swap3A_75] {strides = array<i32>} : memref<125x128xf32, #tpu.memory_space<vmem>>, vector<1x16xf32>,
      %swap3A_77 = vector.shape_cast %swap3A_76 : vector<1x16xf32> to vector<16xf32>
      %swap3A_78 = vector.shape_cast %broadcast_in_dim3A_74 : vector<16xf32> to vector<1x16xf32>
      tpu.vector_store %arg8[%swap3A, %swap3A_75], %swap3A_78 {strides = array<i32>} : memref<125x128xf32, #tpu.memory_space<vmem>>, vector<1x16xf32>,
      %broadcast_in_dim3A_79 = arith.constant 0.000000e+00 : f32
      %broadcast_in_dim3A_80 = vector.broadcast %broadcast_in_dim3A_79 : f32 to vector<16xf32>
      %swap3A_81 = arith.index_cast %scan3A_72 : i32 to index
      %swap3A_82 = arith.constant 16 : index
      %swap3A_83 = tpu.vector_load %arg8[%swap3A_81, %swap3A_82] {strides = array<i32>} : memref<125x128xf32, #tpu.memory_space<vmem>>, vector<1x16xf32>,
      %swap3A_84 = vector.shape_cast %swap3A_83 : vector<1x16xf32> to vector<16xf32>
      %swap3A_85 = vector.shape_cast %broadcast_in_dim3A_80 : vector<16xf32> to vector<1x16xf32>
      tpu.vector_store %arg8[%swap3A_81, %swap3A_82], %swap3A_85 {strides = array<i32>} : memref<125x128xf32, #tpu.memory_space<vmem>>, vector<1x16xf32>,
      %broadcast_in_dim3A_86 = arith.constant 0.000000e+00 : f32
      %broadcast_in_dim3A_87 = vector.broadcast %broadcast_in_dim3A_86 : f32 to vector<16xf32>
      %swap3A_88 = arith.index_cast %scan3A_72 : i32 to index
      %swap3A_89 = arith.constant 32 : index
      %swap3A_90 = tpu.vector_load %arg8[%swap3A_88, %swap3A_89] {strides = array<i32>} : memref<125x128xf32, #tpu.memory_space<vmem>>, vector<1x16xf32>,
      %swap3A_91 = vector.shape_cast %swap3A_90 : vector<1x16xf32> to vector<16xf32>
      %swap3A_92 = vector.shape_cast %broadcast_in_dim3A_87 : vector<16xf32> to vector<1x16xf32>
      tpu.vector_store %arg8[%swap3A_88, %swap3A_89], %swap3A_92 {strides = array<i32>} : memref<125x128xf32, #tpu.memory_space<vmem>>, vector<1x16xf32>,
      %broadcast_in_dim3A_93 = arith.constant 0.000000e+00 : f32
      %broadcast_in_dim3A_94 = vector.broadcast %broadcast_in_dim3A_93 : f32 to vector<16xf32>
      %swap3A_95 = arith.index_cast %scan3A_72 : i32 to index
      %swap3A_96 = arith.constant 48 : index
      %swap3A_97 = tpu.vector_load %arg8[%swap3A_95, %swap3A_96] {strides = array<i32>} : memref<125x128xf32, #tpu.memory_space<vmem>>, vector<1x16xf32>,
      %swap3A_98 = vector.shape_cast %swap3A_97 : vector<1x16xf32> to vector<16xf32>
      %swap3A_99 = vector.shape_cast %broadcast_in_dim3A_94 : vector<16xf32> to vector<1x16xf32>
      tpu.vector_store %arg8[%swap3A_95, %swap3A_96], %swap3A_99 {strides = array<i32>} : memref<125x128xf32, #tpu.memory_space<vmem>>, vector<1x16xf32>,
      %broadcast_in_dim3A_100 = arith.constant 0.000000e+00 : f32
      %broadcast_in_dim3A_101 = vector.broadcast %broadcast_in_dim3A_100 : f32 to vector<16xf32>
      %swap3A_102 = arith.index_cast %scan3A_72 : i32 to index
      %swap3A_103 = arith.constant 64 : index
      %swap3A_104 = tpu.vector_load %arg8[%swap3A_102, %swap3A_103] {strides = array<i32>} : memref<125x128xf32, #tpu.memory_space<vmem>>, vector<1x16xf32>,
      %swap3A_105 = vector.shape_cast %swap3A_104 : vector<1x16xf32> to vector<16xf32>
      %swap3A_106 = vector.shape_cast %broadcast_in_dim3A_101 : vector<16xf32> to vector<1x16xf32>
      tpu.vector_store %arg8[%swap3A_102, %swap3A_103], %swap3A_106 {strides = array<i32>} : memref<125x128xf32, #tpu.memory_space<vmem>>, vector<1x16xf32>,
      %broadcast_in_dim3A_107 = arith.constant 0.000000e+00 : f32
      %broadcast_in_dim3A_108 = vector.broadcast %broadcast_in_dim3A_107 : f32 to vector<16xf32>
      %swap3A_109 = arith.index_cast %scan3A_72 : i32 to index
      %swap3A_110 = arith.constant 80 : index
      %swap3A_111 = tpu.vector_load %arg8[%swap3A_109, %swap3A_110] {strides = array<i32>} : memref<125x128xf32, #tpu.memory_space<vmem>>, vector<1x16xf32>,
      %swap3A_112 = vector.shape_cast %swap3A_111 : vector<1x16xf32> to vector<16xf32>
      %swap3A_113 = vector.shape_cast %broadcast_in_dim3A_108 : vector<16xf32> to vector<1x16xf32>
      tpu.vector_store %arg8[%swap3A_109, %swap3A_110], %swap3A_113 {strides = array<i32>} : memref<125x128xf32, #tpu.memory_space<vmem>>, vector<1x16xf32>,
      %broadcast_in_dim3A_114 = arith.constant 0.000000e+00 : f32
      %broadcast_in_dim3A_115 = vector.broadcast %broadcast_in_dim3A_114 : f32 to vector<16xf32>
      %swap3A_116 = arith.index_cast %scan3A_72 : i32 to index
      %swap3A_117 = arith.constant 96 : index
      %swap3A_118 = tpu.vector_load %arg8[%swap3A_116, %swap3A_117] {strides = array<i32>} : memref<125x128xf32, #tpu.memory_space<vmem>>, vector<1x16xf32>,
      %swap3A_119 = vector.shape_cast %swap3A_118 : vector<1x16xf32> to vector<16xf32>
      %swap3A_120 = vector.shape_cast %broadcast_in_dim3A_115 : vector<16xf32> to vector<1x16xf32>
      tpu.vector_store %arg8[%swap3A_116, %swap3A_117], %swap3A_120 {strides = array<i32>} : memref<125x128xf32, #tpu.memory_space<vmem>>, vector<1x16xf32>,
      %broadcast_in_dim3A_121 = arith.constant 0.000000e+00 : f32
      %broadcast_in_dim3A_122 = vector.broadcast %broadcast_in_dim3A_121 : f32 to vector<16xf32>
      %swap3A_123 = arith.index_cast %scan3A_72 : i32 to index
      %swap3A_124 = arith.constant 112 : index
      %swap3A_125 = tpu.vector_load %arg8[%swap3A_123, %swap3A_124] {strides = array<i32>} : memref<125x128xf32, #tpu.memory_space<vmem>>, vector<1x16xf32>,
      %swap3A_126 = vector.shape_cast %swap3A_125 : vector<1x16xf32> to vector<16xf32>
      %swap3A_127 = vector.shape_cast %broadcast_in_dim3A_122 : vector<16xf32> to vector<1x16xf32>
      tpu.vector_store %arg8[%swap3A_123, %swap3A_124], %swap3A_127 {strides = array<i32>} : memref<125x128xf32, #tpu.memory_space<vmem>>, vector<1x16xf32>,
      %broadcast_in_dim3A_128 = arith.constant 0.000000e+00 : f32
      %broadcast_in_dim3A_129 = vector.broadcast %broadcast_in_dim3A_128 : f32 to vector<16xf32>
      %swap3A_130 = arith.index_cast %scan3A_72 : i32 to index
      %swap3A_131 = arith.constant 0 : index
      %swap3A_132 = tpu.vector_load %arg10[%swap3A_130, %swap3A_131] {strides = array<i32>} : memref<125x16xf32, #tpu.memory_space<vmem>>, vector<1x16xf32>,
      %swap3A_133 = vector.shape_cast %swap3A_132 : vector<1x16xf32> to vector<16xf32>
      %swap3A_134 = vector.shape_cast %broadcast_in_dim3A_129 : vector<16xf32> to vector<1x16xf32>
      tpu.vector_store %arg10[%swap3A_130, %swap3A_131], %swap3A_134 {strides = array<i32>} : memref<125x16xf32, #tpu.memory_space<vmem>>, vector<1x16xf32>,
      %scan3A_135 = arith.constant 0 : i32
      scf.yield %scan3A_135 : i32
    }
    %scan3A_6 = arith.constant 125 : i32
    %mul3A_7 = arith.constant 625 : i32
    %mul3A_8 = arith.muli %arg1, %mul3A_7 : i32
    %add3A_9 = arith.constant 0 : i32
    %add3A_10 = arith.addi %mul3A_8, %add3A_9 : i32
    "tpu.region"() ({
      %run_scoped3A = tpu.sem_alloc : memref<!tpu.dma_semaphore, #tpu.memory_space<semaphore_mem>>
      %dma_start3A = arith.constant 0 : i32
      %dma_start3A_72 = tpu.memref_slice %arg11[%add3A_10, %dma_start3A] : memref<10000x128xf32, #tpu.memory_space<vmem_shared>> -> memref<125x128xf32, #tpu.memory_space<vmem_shared>>
      %dma_start3A_73 = arith.constant 0 : i32
      %dma_start3A_74 = tpu.memref_slice %arg11[%add3A_10, %dma_start3A_73] : memref<10000x128xf32, #tpu.memory_space<vmem_shared>> -> memref<125x128xf32, #tpu.memory_space<vmem_shared>>
      tpu.enqueue_dma source(%arg8 : memref<125x128xf32, #tpu.memory_space<vmem>>) target(%dma_start3A_74 : memref<125x128xf32, #tpu.memory_space<vmem_shared>>) target_semaphore(%run_scoped3A : memref<!tpu.dma_semaphore, #tpu.memory_space<semaphore_mem>>)
      %dma_wait3A = arith.constant 0 : i32
      %dma_wait3A_75 = tpu.memref_slice %arg11[%add3A_10, %dma_wait3A] : memref<10000x128xf32, #tpu.memory_space<vmem_shared>> -> memref<125x128xf32, #tpu.memory_space<vmem_shared>>
      %dma_wait3A_76 = arith.constant 0 : i32
      %dma_wait3A_77 = tpu.memref_slice %arg11[%add3A_10, %dma_wait3A_76] : memref<10000x128xf32, #tpu.memory_space<vmem_shared>> -> memref<125x128xf32, #tpu.memory_space<vmem_shared>>
      tpu.wait_dma2 semaphore(%run_scoped3A : memref<!tpu.dma_semaphore, #tpu.memory_space<semaphore_mem>>) src(%arg8 : memref<125x128xf32, #tpu.memory_space<vmem>>) dst(%dma_wait3A_77 : memref<125x128xf32, #tpu.memory_space<vmem_shared>>)
      tpu.yield
    }) : () -> ()
    %mul3A_11 = arith.constant 625 : i32
    %mul3A_12 = arith.muli %arg1, %mul3A_11 : i32
    %add3A_13 = arith.constant 0 : i32
    %add3A_14 = arith.addi %mul3A_12, %add3A_13 : i32
    "tpu.region"() ({
      %run_scoped3A = tpu.sem_alloc : memref<!tpu.dma_semaphore, #tpu.memory_space<semaphore_mem>>
      %dma_start3A = arith.constant 0 : i32
      %dma_start3A_72 = tpu.memref_slice %arg12[%add3A_14, %dma_start3A] : memref<10000x16xf32, #tpu.memory_space<vmem_shared>> -> memref<125x16xf32, #tpu.memory_space<vmem_shared>>
      %dma_start3A_73 = arith.constant 0 : i32
      %dma_start3A_74 = tpu.memref_slice %arg12[%add3A_14, %dma_start3A_73] : memref<10000x16xf32, #tpu.memory_space<vmem_shared>> -> memref<125x16xf32, #tpu.memory_space<vmem_shared>>
      tpu.enqueue_dma source(%arg10 : memref<125x16xf32, #tpu.memory_space<vmem>>) target(%dma_start3A_74 : memref<125x16xf32, #tpu.memory_space<vmem_shared>>) target_semaphore(%run_scoped3A : memref<!tpu.dma_semaphore, #tpu.memory_space<semaphore_mem>>)
      %dma_wait3A = arith.constant 0 : i32
      %dma_wait3A_75 = tpu.memref_slice %arg12[%add3A_14, %dma_wait3A] : memref<10000x16xf32, #tpu.memory_space<vmem_shared>> -> memref<125x16xf32, #tpu.memory_space<vmem_shared>>
      %dma_wait3A_76 = arith.constant 0 : i32
      %dma_wait3A_77 = tpu.memref_slice %arg12[%add3A_14, %dma_wait3A_76] : memref<10000x16xf32, #tpu.memory_space<vmem_shared>> -> memref<125x16xf32, #tpu.memory_space<vmem_shared>>
      tpu.wait_dma2 semaphore(%run_scoped3A : memref<!tpu.dma_semaphore, #tpu.memory_space<semaphore_mem>>) src(%arg10 : memref<125x16xf32, #tpu.memory_space<vmem>>) dst(%dma_wait3A_77 : memref<125x16xf32, #tpu.memory_space<vmem_shared>>)
      tpu.yield
    }) : () -> ()
    %mul3A_15 = arith.constant 625 : i32
    %mul3A_16 = arith.muli %arg1, %mul3A_15 : i32
    %add3A_17 = arith.constant 125 : i32
    %add3A_18 = arith.addi %mul3A_16, %add3A_17 : i32
    "tpu.region"() ({
      %run_scoped3A = tpu.sem_alloc : memref<!tpu.dma_semaphore, #tpu.memory_space<semaphore_mem>>
      %dma_start3A = arith.constant 0 : i32
      %dma_start3A_72 = tpu.memref_slice %arg11[%add3A_18, %dma_start3A] : memref<10000x128xf32, #tpu.memory_space<vmem_shared>> -> memref<125x128xf32, #tpu.memory_space<vmem_shared>>
      %dma_start3A_73 = arith.constant 0 : i32
      %dma_start3A_74 = tpu.memref_slice %arg11[%add3A_18, %dma_start3A_73] : memref<10000x128xf32, #tpu.memory_space<vmem_shared>> -> memref<125x128xf32, #tpu.memory_space<vmem_shared>>
      tpu.enqueue_dma source(%arg8 : memref<125x128xf32, #tpu.memory_space<vmem>>) target(%dma_start3A_74 : memref<125x128xf32, #tpu.memory_space<vmem_shared>>) target_semaphore(%run_scoped3A : memref<!tpu.dma_semaphore, #tpu.memory_space<semaphore_mem>>)
      %dma_wait3A = arith.constant 0 : i32
      %dma_wait3A_75 = tpu.memref_slice %arg11[%add3A_18, %dma_wait3A] : memref<10000x128xf32, #tpu.memory_space<vmem_shared>> -> memref<125x128xf32, #tpu.memory_space<vmem_shared>>
      %dma_wait3A_76 = arith.constant 0 : i32
      %dma_wait3A_77 = tpu.memref_slice %arg11[%add3A_18, %dma_wait3A_76] : memref<10000x128xf32, #tpu.memory_space<vmem_shared>> -> memref<125x128xf32, #tpu.memory_space<vmem_shared>>
      tpu.wait_dma2 semaphore(%run_scoped3A : memref<!tpu.dma_semaphore, #tpu.memory_space<semaphore_mem>>) src(%arg8 : memref<125x128xf32, #tpu.memory_space<vmem>>) dst(%dma_wait3A_77 : memref<125x128xf32, #tpu.memory_space<vmem_shared>>)
      tpu.yield
    }) : () -> ()
    %mul3A_19 = arith.constant 625 : i32
    %mul3A_20 = arith.muli %arg1, %mul3A_19 : i32
    %add3A_21 = arith.constant 125 : i32
    %add3A_22 = arith.addi %mul3A_20, %add3A_21 : i32
    "tpu.region"() ({
      %run_scoped3A = tpu.sem_alloc : memref<!tpu.dma_semaphore, #tpu.memory_space<semaphore_mem>>
      %dma_start3A = arith.constant 0 : i32
      %dma_start3A_72 = tpu.memref_slice %arg12[%add3A_22, %dma_start3A] : memref<10000x16xf32, #tpu.memory_space<vmem_shared>> -> memref<125x16xf32, #tpu.memory_space<vmem_shared>>
      %dma_start3A_73 = arith.constant 0 : i32
      %dma_start3A_74 = tpu.memref_slice %arg12[%add3A_22, %dma_start3A_73] : memref<10000x16xf32, #tpu.memory_space<vmem_shared>> -> memref<125x16xf32, #tpu.memory_space<vmem_shared>>
      tpu.enqueue_dma source(%arg10 : memref<125x16xf32, #tpu.memory_space<vmem>>) target(%dma_start3A_74 : memref<125x16xf32, #tpu.memory_space<vmem_shared>>) target_semaphore(%run_scoped3A : memref<!tpu.dma_semaphore, #tpu.memory_space<semaphore_mem>>)
      %dma_wait3A = arith.constant 0 : i32
      %dma_wait3A_75 = tpu.memref_slice %arg12[%add3A_22, %dma_wait3A] : memref<10000x16xf32, #tpu.memory_space<vmem_shared>> -> memref<125x16xf32, #tpu.memory_space<vmem_shared>>
      %dma_wait3A_76 = arith.constant 0 : i32
      %dma_wait3A_77 = tpu.memref_slice %arg12[%add3A_22, %dma_wait3A_76] : memref<10000x16xf32, #tpu.memory_space<vmem_shared>> -> memref<125x16xf32, #tpu.memory_space<vmem_shared>>
      tpu.wait_dma2 semaphore(%run_scoped3A : memref<!tpu.dma_semaphore, #tpu.memory_space<semaphore_mem>>) src(%arg10 : memref<125x16xf32, #tpu.memory_space<vmem>>) dst(%dma_wait3A_77 : memref<125x16xf32, #tpu.memory_space<vmem_shared>>)
      tpu.yield
    }) : () -> ()
    %mul3A_23 = arith.constant 625 : i32
    %mul3A_24 = arith.muli %arg1, %mul3A_23 : i32
    %add3A_25 = arith.constant 250 : i32
    %add3A_26 = arith.addi %mul3A_24, %add3A_25 : i32
    "tpu.region"() ({
      %run_scoped3A = tpu.sem_alloc : memref<!tpu.dma_semaphore, #tpu.memory_space<semaphore_mem>>
      %dma_start3A = arith.constant 0 : i32
      %dma_start3A_72 = tpu.memref_slice %arg11[%add3A_26, %dma_start3A] : memref<10000x128xf32, #tpu.memory_space<vmem_shared>> -> memref<125x128xf32, #tpu.memory_space<vmem_shared>>
      %dma_start3A_73 = arith.constant 0 : i32
      %dma_start3A_74 = tpu.memref_slice %arg11[%add3A_26, %dma_start3A_73] : memref<10000x128xf32, #tpu.memory_space<vmem_shared>> -> memref<125x128xf32, #tpu.memory_space<vmem_shared>>
      tpu.enqueue_dma source(%arg8 : memref<125x128xf32, #tpu.memory_space<vmem>>) target(%dma_start3A_74 : memref<125x128xf32, #tpu.memory_space<vmem_shared>>) target_semaphore(%run_scoped3A : memref<!tpu.dma_semaphore, #tpu.memory_space<semaphore_mem>>)
      %dma_wait3A = arith.constant 0 : i32
      %dma_wait3A_75 = tpu.memref_slice %arg11[%add3A_26, %dma_wait3A] : memref<10000x128xf32, #tpu.memory_space<vmem_shared>> -> memref<125x128xf32, #tpu.memory_space<vmem_shared>>
      %dma_wait3A_76 = arith.constant 0 : i32
      %dma_wait3A_77 = tpu.memref_slice %arg11[%add3A_26, %dma_wait3A_76] : memref<10000x128xf32, #tpu.memory_space<vmem_shared>> -> memref<125x128xf32, #tpu.memory_space<vmem_shared>>
      tpu.wait_dma2 semaphore(%run_scoped3A : memref<!tpu.dma_semaphore, #tpu.memory_space<semaphore_mem>>) src(%arg8 : memref<125x128xf32, #tpu.memory_space<vmem>>) dst(%dma_wait3A_77 : memref<125x128xf32, #tpu.memory_space<vmem_shared>>)
      tpu.yield
    }) : () -> ()
    %mul3A_27 = arith.constant 625 : i32
    %mul3A_28 = arith.muli %arg1, %mul3A_27 : i32
    %add3A_29 = arith.constant 250 : i32
    %add3A_30 = arith.addi %mul3A_28, %add3A_29 : i32
    "tpu.region"() ({
      %run_scoped3A = tpu.sem_alloc : memref<!tpu.dma_semaphore, #tpu.memory_space<semaphore_mem>>
      %dma_start3A = arith.constant 0 : i32
      %dma_start3A_72 = tpu.memref_slice %arg12[%add3A_30, %dma_start3A] : memref<10000x16xf32, #tpu.memory_space<vmem_shared>> -> memref<125x16xf32, #tpu.memory_space<vmem_shared>>
      %dma_start3A_73 = arith.constant 0 : i32
      %dma_start3A_74 = tpu.memref_slice %arg12[%add3A_30, %dma_start3A_73] : memref<10000x16xf32, #tpu.memory_space<vmem_shared>> -> memref<125x16xf32, #tpu.memory_space<vmem_shared>>
      tpu.enqueue_dma source(%arg10 : memref<125x16xf32, #tpu.memory_space<vmem>>) target(%dma_start3A_74 : memref<125x16xf32, #tpu.memory_space<vmem_shared>>) target_semaphore(%run_scoped3A : memref<!tpu.dma_semaphore, #tpu.memory_space<semaphore_mem>>)
      %dma_wait3A = arith.constant 0 : i32
      %dma_wait3A_75 = tpu.memref_slice %arg12[%add3A_30, %dma_wait3A] : memref<10000x16xf32, #tpu.memory_space<vmem_shared>> -> memref<125x16xf32, #tpu.memory_space<vmem_shared>>
      %dma_wait3A_76 = arith.constant 0 : i32
      %dma_wait3A_77 = tpu.memref_slice %arg12[%add3A_30, %dma_wait3A_76] : memref<10000x16xf32, #tpu.memory_space<vmem_shared>> -> memref<125x16xf32, #tpu.memory_space<vmem_shared>>
      tpu.wait_dma2 semaphore(%run_scoped3A : memref<!tpu.dma_semaphore, #tpu.memory_space<semaphore_mem>>) src(%arg10 : memref<125x16xf32, #tpu.memory_space<vmem>>) dst(%dma_wait3A_77 : memref<125x16xf32, #tpu.memory_space<vmem_shared>>)
      tpu.yield
    }) : () -> ()
    %mul3A_31 = arith.constant 625 : i32
    %mul3A_32 = arith.muli %arg1, %mul3A_31 : i32
    %add3A_33 = arith.constant 375 : i32
    %add3A_34 = arith.addi %mul3A_32, %add3A_33 : i32
    "tpu.region"() ({
      %run_scoped3A = tpu.sem_alloc : memref<!tpu.dma_semaphore, #tpu.memory_space<semaphore_mem>>
      %dma_start3A = arith.constant 0 : i32
      %dma_start3A_72 = tpu.memref_slice %arg11[%add3A_34, %dma_start3A] : memref<10000x128xf32, #tpu.memory_space<vmem_shared>> -> memref<125x128xf32, #tpu.memory_space<vmem_shared>>
      %dma_start3A_73 = arith.constant 0 : i32
      %dma_start3A_74 = tpu.memref_slice %arg11[%add3A_34, %dma_start3A_73] : memref<10000x128xf32, #tpu.memory_space<vmem_shared>> -> memref<125x128xf32, #tpu.memory_space<vmem_shared>>
      tpu.enqueue_dma source(%arg8 : memref<125x128xf32, #tpu.memory_space<vmem>>) target(%dma_start3A_74 : memref<125x128xf32, #tpu.memory_space<vmem_shared>>) target_semaphore(%run_scoped3A : memref<!tpu.dma_semaphore, #tpu.memory_space<semaphore_mem>>)
      %dma_wait3A = arith.constant 0 : i32
      %dma_wait3A_75 = tpu.memref_slice %arg11[%add3A_34, %dma_wait3A] : memref<10000x128xf32, #tpu.memory_space<vmem_shared>> -> memref<125x128xf32, #tpu.memory_space<vmem_shared>>
      %dma_wait3A_76 = arith.constant 0 : i32
      %dma_wait3A_77 = tpu.memref_slice %arg11[%add3A_34, %dma_wait3A_76] : memref<10000x128xf32, #tpu.memory_space<vmem_shared>> -> memref<125x128xf32, #tpu.memory_space<vmem_shared>>
      tpu.wait_dma2 semaphore(%run_scoped3A : memref<!tpu.dma_semaphore, #tpu.memory_space<semaphore_mem>>) src(%arg8 : memref<125x128xf32, #tpu.memory_space<vmem>>) dst(%dma_wait3A_77 : memref<125x128xf32, #tpu.memory_space<vmem_shared>>)
      tpu.yield
    }) : () -> ()
    %mul3A_35 = arith.constant 625 : i32
    %mul3A_36 = arith.muli %arg1, %mul3A_35 : i32
    %add3A_37 = arith.constant 375 : i32
    %add3A_38 = arith.addi %mul3A_36, %add3A_37 : i32
    "tpu.region"() ({
      %run_scoped3A = tpu.sem_alloc : memref<!tpu.dma_semaphore, #tpu.memory_space<semaphore_mem>>
      %dma_start3A = arith.constant 0 : i32
      %dma_start3A_72 = tpu.memref_slice %arg12[%add3A_38, %dma_start3A] : memref<10000x16xf32, #tpu.memory_space<vmem_shared>> -> memref<125x16xf32, #tpu.memory_space<vmem_shared>>
      %dma_start3A_73 = arith.constant 0 : i32
      %dma_start3A_74 = tpu.memref_slice %arg12[%add3A_38, %dma_start3A_73] : memref<10000x16xf32, #tpu.memory_space<vmem_shared>> -> memref<125x16xf32, #tpu.memory_space<vmem_shared>>
      tpu.enqueue_dma source(%arg10 : memref<125x16xf32, #tpu.memory_space<vmem>>) target(%dma_start3A_74 : memref<125x16xf32, #tpu.memory_space<vmem_shared>>) target_semaphore(%run_scoped3A : memref<!tpu.dma_semaphore, #tpu.memory_space<semaphore_mem>>)
      %dma_wait3A = arith.constant 0 : i32
      %dma_wait3A_75 = tpu.memref_slice %arg12[%add3A_38, %dma_wait3A] : memref<10000x16xf32, #tpu.memory_space<vmem_shared>> -> memref<125x16xf32, #tpu.memory_space<vmem_shared>>
      %dma_wait3A_76 = arith.constant 0 : i32
      %dma_wait3A_77 = tpu.memref_slice %arg12[%add3A_38, %dma_wait3A_76] : memref<10000x16xf32, #tpu.memory_space<vmem_shared>> -> memref<125x16xf32, #tpu.memory_space<vmem_shared>>
      tpu.wait_dma2 semaphore(%run_scoped3A : memref<!tpu.dma_semaphore, #tpu.memory_space<semaphore_mem>>) src(%arg10 : memref<125x16xf32, #tpu.memory_space<vmem>>) dst(%dma_wait3A_77 : memref<125x16xf32, #tpu.memory_space<vmem_shared>>)
      tpu.yield
    }) : () -> ()
    %mul3A_39 = arith.constant 625 : i32
    %mul3A_40 = arith.muli %arg1, %mul3A_39 : i32
    %add3A_41 = arith.constant 500 : i32
    %add3A_42 = arith.addi %mul3A_40, %add3A_41 : i32
    "tpu.region"() ({
      %run_scoped3A = tpu.sem_alloc : memref<!tpu.dma_semaphore, #tpu.memory_space<semaphore_mem>>
      %dma_start3A = arith.constant 0 : i32
      %dma_start3A_72 = tpu.memref_slice %arg11[%add3A_42, %dma_start3A] : memref<10000x128xf32, #tpu.memory_space<vmem_shared>> -> memref<125x128xf32, #tpu.memory_space<vmem_shared>>
      %dma_start3A_73 = arith.constant 0 : i32
      %dma_start3A_74 = tpu.memref_slice %arg11[%add3A_42, %dma_start3A_73] : memref<10000x128xf32, #tpu.memory_space<vmem_shared>> -> memref<125x128xf32, #tpu.memory_space<vmem_shared>>
      tpu.enqueue_dma source(%arg8 : memref<125x128xf32, #tpu.memory_space<vmem>>) target(%dma_start3A_74 : memref<125x128xf32, #tpu.memory_space<vmem_shared>>) target_semaphore(%run_scoped3A : memref<!tpu.dma_semaphore, #tpu.memory_space<semaphore_mem>>)
      %dma_wait3A = arith.constant 0 : i32
      %dma_wait3A_75 = tpu.memref_slice %arg11[%add3A_42, %dma_wait3A] : memref<10000x128xf32, #tpu.memory_space<vmem_shared>> -> memref<125x128xf32, #tpu.memory_space<vmem_shared>>
      %dma_wait3A_76 = arith.constant 0 : i32
      %dma_wait3A_77 = tpu.memref_slice %arg11[%add3A_42, %dma_wait3A_76] : memref<10000x128xf32, #tpu.memory_space<vmem_shared>> -> memref<125x128xf32, #tpu.memory_space<vmem_shared>>
      tpu.wait_dma2 semaphore(%run_scoped3A : memref<!tpu.dma_semaphore, #tpu.memory_space<semaphore_mem>>) src(%arg8 : memref<125x128xf32, #tpu.memory_space<vmem>>) dst(%dma_wait3A_77 : memref<125x128xf32, #tpu.memory_space<vmem_shared>>)
      tpu.yield
    }) : () -> ()
    %mul3A_43 = arith.constant 625 : i32
    %mul3A_44 = arith.muli %arg1, %mul3A_43 : i32
    %add3A_45 = arith.constant 500 : i32
    %add3A_46 = arith.addi %mul3A_44, %add3A_45 : i32
    "tpu.region"() ({
      %run_scoped3A = tpu.sem_alloc : memref<!tpu.dma_semaphore, #tpu.memory_space<semaphore_mem>>
      %dma_start3A = arith.constant 0 : i32
      %dma_start3A_72 = tpu.memref_slice %arg12[%add3A_46, %dma_start3A] : memref<10000x16xf32, #tpu.memory_space<vmem_shared>> -> memref<125x16xf32, #tpu.memory_space<vmem_shared>>
      %dma_start3A_73 = arith.constant 0 : i32
      %dma_start3A_74 = tpu.memref_slice %arg12[%add3A_46, %dma_start3A_73] : memref<10000x16xf32, #tpu.memory_space<vmem_shared>> -> memref<125x16xf32, #tpu.memory_space<vmem_shared>>
      tpu.enqueue_dma source(%arg10 : memref<125x16xf32, #tpu.memory_space<vmem>>) target(%dma_start3A_74 : memref<125x16xf32, #tpu.memory_space<vmem_shared>>) target_semaphore(%run_scoped3A : memref<!tpu.dma_semaphore, #tpu.memory_space<semaphore_mem>>)
      %dma_wait3A = arith.constant 0 : i32
      %dma_wait3A_75 = tpu.memref_slice %arg12[%add3A_46, %dma_wait3A] : memref<10000x16xf32, #tpu.memory_space<vmem_shared>> -> memref<125x16xf32, #tpu.memory_space<vmem_shared>>
      %dma_wait3A_76 = arith.constant 0 : i32
      %dma_wait3A_77 = tpu.memref_slice %arg12[%add3A_46, %dma_wait3A_76] : memref<10000x16xf32, #tpu.memory_space<vmem_shared>> -> memref<125x16xf32, #tpu.memory_space<vmem_shared>>
      tpu.wait_dma2 semaphore(%run_scoped3A : memref<!tpu.dma_semaphore, #tpu.memory_space<semaphore_mem>>) src(%arg10 : memref<125x16xf32, #tpu.memory_space<vmem>>) dst(%dma_wait3A_77 : memref<125x16xf32, #tpu.memory_space<vmem_shared>>)
      tpu.yield
    }) : () -> ()
    %scan3A_47 = arith.constant 0 : i32
    %scan3A_48 = arith.constant 0 : i32
    %scan3A_49 = arith.constant 125 : i32
    %scan3A_50 = arith.addi %scan3A_48, %scan3A_49 : i32
    %scan3A_51 = arith.constant 1 : i32
    %scan3A_52 = scf.for %scan3A_72 = %scan3A_48 to %scan3A_50 step %scan3A_51 iter_args(%scan3A_73 = %scan3A_47) -> (i32)  : i32 {
      %broadcast_in_dim3A = arith.constant 1.000000e+00 : f32
      %broadcast_in_dim3A_74 = vector.broadcast %broadcast_in_dim3A : f32 to vector<16xf32>
      %swap3A = arith.index_cast %scan3A_72 : i32 to index
      %swap3A_75 = arith.constant 0 : index
      %swap3A_76 = tpu.vector_load %arg10[%swap3A, %swap3A_75] {strides = array<i32>} : memref<125x16xf32, #tpu.memory_space<vmem>>, vector<1x16xf32>,
      %swap3A_77 = vector.shape_cast %swap3A_76 : vector<1x16xf32> to vector<16xf32>
      %swap3A_78 = vector.shape_cast %broadcast_in_dim3A_74 : vector<16xf32> to vector<1x16xf32>
      tpu.vector_store %arg10[%swap3A, %swap3A_75], %swap3A_78 {strides = array<i32>} : memref<125x16xf32, #tpu.memory_space<vmem>>, vector<1x16xf32>,
      %scan3A_79 = arith.constant 0 : i32
      scf.yield %scan3A_79 : i32
    }
    %scan3A_53 = arith.constant 125 : i32
    %barrier3A = arith.constant 0 : index
    tpu.barrier barrier_id(%barrier3A)
    %scan3A_54 = arith.constant 0 : i32
    %scan3A_55 = arith.constant 1 : i32
    %scan3A_56 = arith.constant 0 : i32
    %scan3A_57 = arith.constant 0 : i32
    %scan3A_58 = arith.constant 5 : i32
    %scan3A_59 = arith.addi %scan3A_57, %scan3A_58 : i32
    %scan3A_60 = arith.constant 1 : i32
    %scan3A_61 = scf.for %scan3A_72 = %scan3A_57 to %scan3A_59 step %scan3A_60 iter_args(%scan3A_73 = %scan3A_56) -> (i32)  : i32 {
      %mul3A_74 = arith.constant 16 : i32
      %mul3A_75 = arith.muli %scan3A_72, %mul3A_74 : i32
      "tpu.region"() ({
        %run_scoped3A = tpu.sem_alloc : memref<!tpu.dma_semaphore, #tpu.memory_space<semaphore_mem>>
        %dma_start3A_99 = arith.constant 0 : i32
        %dma_start3A_100 = arith.constant 0 : i32
        %dma_start3A_101 = arith.constant 0 : i32
        %dma_start3A_102 = tpu.memref_slice %arg2[%scan3A_54, %dma_start3A_99, %dma_start3A_100, %dma_start3A_101] : memref<2x32x80x125xi32, #tpu.memory_space<hbm>> -> memref<1x32x80x125xi32, #tpu.memory_space<hbm>>
        %dma_start3A_103 = tpu.memref_squeeze %dma_start3A_102 : memref<1x32x80x125xi32, #tpu.memory_space<hbm>> -> memref<32x80x125xi32, #tpu.memory_space<hbm>>
        %dma_start3A_104 = arith.constant 0 : i32
        %dma_start3A_105 = arith.constant 0 : i32
        %dma_start3A_106 = tpu.memref_slice %dma_start3A_103[%add3A, %dma_start3A_104, %dma_start3A_105] : memref<32x80x125xi32, #tpu.memory_space<hbm>> -> memref<1x80x125xi32, #tpu.memory_space<hbm>>
        %dma_start3A_107 = tpu.memref_squeeze %dma_start3A_106 : memref<1x80x125xi32, #tpu.memory_space<hbm>> -> memref<80x125xi32, #tpu.memory_space<hbm>>
        %dma_start3A_108 = arith.constant 0 : i32
        %dma_start3A_109 = tpu.memref_slice %dma_start3A_107[%mul3A_75, %dma_start3A_108] : memref<80x125xi32, #tpu.memory_space<hbm>> -> memref<16x125xi32, #tpu.memory_space<hbm>>
        %dma_start3A_110 = arith.constant 0 : i32
        %dma_start3A_111 = arith.constant 0 : i32
        %dma_start3A_112 = arith.constant 0 : i32
        %dma_start3A_113 = tpu.memref_slice %arg2[%scan3A_54, %dma_start3A_110, %dma_start3A_111, %dma_start3A_112] : memref<2x32x80x125xi32, #tpu.memory_space<hbm>> -> memref<1x32x80x125xi32, #tpu.memory_space<hbm>>
        %dma_start3A_114 = tpu.memref_squeeze %dma_start3A_113 : memref<1x32x80x125xi32, #tpu.memory_space<hbm>> -> memref<32x80x125xi32, #tpu.memory_space<hbm>>
        %dma_start3A_115 = arith.constant 0 : i32
        %dma_start3A_116 = arith.constant 0 : i32
        %dma_start3A_117 = tpu.memref_slice %dma_start3A_114[%add3A, %dma_start3A_115, %dma_start3A_116] : memref<32x80x125xi32, #tpu.memory_space<hbm>> -> memref<1x80x125xi32, #tpu.memory_space<hbm>>
        %dma_start3A_118 = tpu.memref_squeeze %dma_start3A_117 : memref<1x80x125xi32, #tpu.memory_space<hbm>> -> memref<80x125xi32, #tpu.memory_space<hbm>>
        %dma_start3A_119 = arith.constant 0 : i32
        %dma_start3A_120 = tpu.memref_slice %dma_start3A_118[%mul3A_75, %dma_start3A_119] : memref<80x125xi32, #tpu.memory_space<hbm>> -> memref<16x125xi32, #tpu.memory_space<hbm>>
        tpu.enqueue_dma source(%dma_start3A_120 : memref<16x125xi32, #tpu.memory_space<hbm>>) target(%arg6 : memref<16x125xi32, #tpu.memory_space<vmem>>) target_semaphore(%run_scoped3A : memref<!tpu.dma_semaphore, #tpu.memory_space<semaphore_mem>>)
        %dma_wait3A = arith.constant 0 : i32
        %dma_wait3A_121 = arith.constant 0 : i32
        %dma_wait3A_122 = arith.constant 0 : i32
        %dma_wait3A_123 = tpu.memref_slice %arg2[%scan3A_54, %dma_wait3A, %dma_wait3A_121, %dma_wait3A_122] : memref<2x32x80x125xi32, #tpu.memory_space<hbm>> -> memref<1x32x80x125xi32, #tpu.memory_space<hbm>>
        %dma_wait3A_124 = tpu.memref_squeeze %dma_wait3A_123 : memref<1x32x80x125xi32, #tpu.memory_space<hbm>> -> memref<32x80x125xi32, #tpu.memory_space<hbm>>
        %dma_wait3A_125 = arith.constant 0 : i32
        %dma_wait3A_126 = arith.constant 0 : i32
        %dma_wait3A_127 = tpu.memref_slice %dma_wait3A_124[%add3A, %dma_wait3A_125, %dma_wait3A_126] : memref<32x80x125xi32, #tpu.memory_space<hbm>> -> memref<1x80x125xi32, #tpu.memory_space<hbm>>
        %dma_wait3A_128 = tpu.memref_squeeze %dma_wait3A_127 : memref<1x80x125xi32, #tpu.memory_space<hbm>> -> memref<80x125xi32, #tpu.memory_space<hbm>>
        %dma_wait3A_129 = arith.constant 0 : i32
        %dma_wait3A_130 = tpu.memref_slice %dma_wait3A_128[%mul3A_75, %dma_wait3A_129] : memref<80x125xi32, #tpu.memory_space<hbm>> -> memref<16x125xi32, #tpu.memory_space<hbm>>
        %dma_wait3A_131 = arith.constant 0 : i32
        %dma_wait3A_132 = arith.constant 0 : i32
        %dma_wait3A_133 = arith.constant 0 : i32
        %dma_wait3A_134 = tpu.memref_slice %arg2[%scan3A_54, %dma_wait3A_131, %dma_wait3A_132, %dma_wait3A_133] : memref<2x32x80x125xi32, #tpu.memory_space<hbm>> -> memref<1x32x80x125xi32, #tpu.memory_space<hbm>>
        %dma_wait3A_135 = tpu.memref_squeeze %dma_wait3A_134 : memref<1x32x80x125xi32, #tpu.memory_space<hbm>> -> memref<32x80x125xi32, #tpu.memory_space<hbm>>
        %dma_wait3A_136 = arith.constant 0 : i32
        %dma_wait3A_137 = arith.constant 0 : i32
        %dma_wait3A_138 = tpu.memref_slice %dma_wait3A_135[%add3A, %dma_wait3A_136, %dma_wait3A_137] : memref<32x80x125xi32, #tpu.memory_space<hbm>> -> memref<1x80x125xi32, #tpu.memory_space<hbm>>
        %dma_wait3A_139 = tpu.memref_squeeze %dma_wait3A_138 : memref<1x80x125xi32, #tpu.memory_space<hbm>> -> memref<80x125xi32, #tpu.memory_space<hbm>>
        %dma_wait3A_140 = arith.constant 0 : i32
        %dma_wait3A_141 = tpu.memref_slice %dma_wait3A_139[%mul3A_75, %dma_wait3A_140] : memref<80x125xi32, #tpu.memory_space<hbm>> -> memref<16x125xi32, #tpu.memory_space<hbm>>
        tpu.wait_dma2 semaphore(%run_scoped3A : memref<!tpu.dma_semaphore, #tpu.memory_space<semaphore_mem>>) src(%dma_wait3A_141 : memref<16x125xi32, #tpu.memory_space<hbm>>) dst(%arg6 : memref<16x125xi32, #tpu.memory_space<vmem>>)
        tpu.yield
      }) : () -> ()
      %mul3A_76 = arith.constant 16 : i32
      %mul3A_77 = arith.muli %scan3A_72, %mul3A_76 : i32
      "tpu.region"() ({
        %run_scoped3A = tpu.sem_alloc : memref<!tpu.dma_semaphore, #tpu.memory_space<semaphore_mem>>
        %dma_start3A_99 = arith.constant 0 : i32
        %dma_start3A_100 = arith.constant 0 : i32
        %dma_start3A_101 = arith.constant 0 : i32
        %dma_start3A_102 = tpu.memref_slice %arg2[%scan3A_55, %dma_start3A_99, %dma_start3A_100, %dma_start3A_101] : memref<2x32x80x125xi32, #tpu.memory_space<hbm>> -> memref<1x32x80x125xi32, #tpu.memory_space<hbm>>
        %dma_start3A_103 = tpu.memref_squeeze %dma_start3A_102 : memref<1x32x80x125xi32, #tpu.memory_space<hbm>> -> memref<32x80x125xi32, #tpu.memory_space<hbm>>
        %dma_start3A_104 = arith.constant 0 : i32
        %dma_start3A_105 = arith.constant 0 : i32
        %dma_start3A_106 = tpu.memref_slice %dma_start3A_103[%add3A, %dma_start3A_104, %dma_start3A_105] : memref<32x80x125xi32, #tpu.memory_space<hbm>> -> memref<1x80x125xi32, #tpu.memory_space<hbm>>
        %dma_start3A_107 = tpu.memref_squeeze %dma_start3A_106 : memref<1x80x125xi32, #tpu.memory_space<hbm>> -> memref<80x125xi32, #tpu.memory_space<hbm>>
        %dma_start3A_108 = arith.constant 0 : i32
        %dma_start3A_109 = tpu.memref_slice %dma_start3A_107[%mul3A_77, %dma_start3A_108] : memref<80x125xi32, #tpu.memory_space<hbm>> -> memref<16x125xi32, #tpu.memory_space<hbm>>
        %dma_start3A_110 = arith.constant 0 : i32
        %dma_start3A_111 = arith.constant 0 : i32
        %dma_start3A_112 = arith.constant 0 : i32
        %dma_start3A_113 = tpu.memref_slice %arg2[%scan3A_55, %dma_start3A_110, %dma_start3A_111, %dma_start3A_112] : memref<2x32x80x125xi32, #tpu.memory_space<hbm>> -> memref<1x32x80x125xi32, #tpu.memory_space<hbm>>
        %dma_start3A_114 = tpu.memref_squeeze %dma_start3A_113 : memref<1x32x80x125xi32, #tpu.memory_space<hbm>> -> memref<32x80x125xi32, #tpu.memory_space<hbm>>
        %dma_start3A_115 = arith.constant 0 : i32
        %dma_start3A_116 = arith.constant 0 : i32
        %dma_start3A_117 = tpu.memref_slice %dma_start3A_114[%add3A, %dma_start3A_115, %dma_start3A_116] : memref<32x80x125xi32, #tpu.memory_space<hbm>> -> memref<1x80x125xi32, #tpu.memory_space<hbm>>
        %dma_start3A_118 = tpu.memref_squeeze %dma_start3A_117 : memref<1x80x125xi32, #tpu.memory_space<hbm>> -> memref<80x125xi32, #tpu.memory_space<hbm>>
        %dma_start3A_119 = arith.constant 0 : i32
        %dma_start3A_120 = tpu.memref_slice %dma_start3A_118[%mul3A_77, %dma_start3A_119] : memref<80x125xi32, #tpu.memory_space<hbm>> -> memref<16x125xi32, #tpu.memory_space<hbm>>
        tpu.enqueue_dma source(%dma_start3A_120 : memref<16x125xi32, #tpu.memory_space<hbm>>) target(%arg7 : memref<16x125xi32, #tpu.memory_space<vmem>>) target_semaphore(%run_scoped3A : memref<!tpu.dma_semaphore, #tpu.memory_space<semaphore_mem>>)
        %dma_wait3A = arith.constant 0 : i32
        %dma_wait3A_121 = arith.constant 0 : i32
        %dma_wait3A_122 = arith.constant 0 : i32
        %dma_wait3A_123 = tpu.memref_slice %arg2[%scan3A_55, %dma_wait3A, %dma_wait3A_121, %dma_wait3A_122] : memref<2x32x80x125xi32, #tpu.memory_space<hbm>> -> memref<1x32x80x125xi32, #tpu.memory_space<hbm>>
        %dma_wait3A_124 = tpu.memref_squeeze %dma_wait3A_123 : memref<1x32x80x125xi32, #tpu.memory_space<hbm>> -> memref<32x80x125xi32, #tpu.memory_space<hbm>>
        %dma_wait3A_125 = arith.constant 0 : i32
        %dma_wait3A_126 = arith.constant 0 : i32
        %dma_wait3A_127 = tpu.memref_slice %dma_wait3A_124[%add3A, %dma_wait3A_125, %dma_wait3A_126] : memref<32x80x125xi32, #tpu.memory_space<hbm>> -> memref<1x80x125xi32, #tpu.memory_space<hbm>>
        %dma_wait3A_128 = tpu.memref_squeeze %dma_wait3A_127 : memref<1x80x125xi32, #tpu.memory_space<hbm>> -> memref<80x125xi32, #tpu.memory_space<hbm>>
        %dma_wait3A_129 = arith.constant 0 : i32
        %dma_wait3A_130 = tpu.memref_slice %dma_wait3A_128[%mul3A_77, %dma_wait3A_129] : memref<80x125xi32, #tpu.memory_space<hbm>> -> memref<16x125xi32, #tpu.memory_space<hbm>>
        %dma_wait3A_131 = arith.constant 0 : i32
        %dma_wait3A_132 = arith.constant 0 : i32
        %dma_wait3A_133 = arith.constant 0 : i32
        %dma_wait3A_134 = tpu.memref_slice %arg2[%scan3A_55, %dma_wait3A_131, %dma_wait3A_132, %dma_wait3A_133] : memref<2x32x80x125xi32, #tpu.memory_space<hbm>> -> memref<1x32x80x125xi32, #tpu.memory_space<hbm>>
        %dma_wait3A_135 = tpu.memref_squeeze %dma_wait3A_134 : memref<1x32x80x125xi32, #tpu.memory_space<hbm>> -> memref<32x80x125xi32, #tpu.memory_space<hbm>>
        %dma_wait3A_136 = arith.constant 0 : i32
        %dma_wait3A_137 = arith.constant 0 : i32
        %dma_wait3A_138 = tpu.memref_slice %dma_wait3A_135[%add3A, %dma_wait3A_136, %dma_wait3A_137] : memref<32x80x125xi32, #tpu.memory_space<hbm>> -> memref<1x80x125xi32, #tpu.memory_space<hbm>>
        %dma_wait3A_139 = tpu.memref_squeeze %dma_wait3A_138 : memref<1x80x125xi32, #tpu.memory_space<hbm>> -> memref<80x125xi32, #tpu.memory_space<hbm>>
        %dma_wait3A_140 = arith.constant 0 : i32
        %dma_wait3A_141 = tpu.memref_slice %dma_wait3A_139[%mul3A_77, %dma_wait3A_140] : memref<80x125xi32, #tpu.memory_space<hbm>> -> memref<16x125xi32, #tpu.memory_space<hbm>>
        tpu.wait_dma2 semaphore(%run_scoped3A : memref<!tpu.dma_semaphore, #tpu.memory_space<semaphore_mem>>) src(%dma_wait3A_141 : memref<16x125xi32, #tpu.memory_space<hbm>>) dst(%arg7 : memref<16x125xi32, #tpu.memory_space<vmem>>)
        tpu.yield
      }) : () -> ()
      %dma_start3A = arith.constant 0 : i32
      %dma_start3A_78 = arith.constant 0 : i32
      %dma_start3A_79 = tpu.memref_slice %arg6[%dma_start3A, %dma_start3A_78] : memref<16x125xi32, #tpu.memory_space<vmem>> -> memref<1x125xi32, #tpu.memory_space<vmem>>
      %dma_start3A_80 = tpu.memref_squeeze %dma_start3A_79 : memref<1x125xi32, #tpu.memory_space<vmem>> -> memref<125xi32, #tpu.memory_space<vmem>>
      %dma_start3A_81 = arith.constant 0 : i32
      %dma_start3A_82 = arith.constant 0 : i32
      %dma_start3A_83 = tpu.memref_slice %arg3[%dma_start3A_81, %dma_start3A_82] : memref<10000x128xf32, #tpu.memory_space<hbm>> -> memref<10000x128xf32, #tpu.memory_space<hbm>>
      tpu.enqueue_indirect_dma source(%dma_start3A_83 : memref<10000x128xf32, #tpu.memory_space<hbm>>) target(%arg8 : memref<125x128xf32, #tpu.memory_space<vmem>>) offsets(%dma_start3A_80 : memref<125xi32, #tpu.memory_space<vmem>>) semaphore(%arg13 : memref<!tpu.dma_semaphore, #tpu.memory_space<semaphore_mem>>)
      %scan3A_84 = arith.constant 0 : i32
      %scan3A_85 = arith.constant 0 : i32
      %scan3A_86 = arith.constant 8 : i32
      %scan3A_87 = arith.addi %scan3A_85, %scan3A_86 : i32
      %scan3A_88 = arith.constant 1 : i32
      %scan3A_89 = scf.for %scan3A_99 = %scan3A_85 to %scan3A_87 step %scan3A_88 iter_args(%scan3A_100 = %scan3A_84) -> (i32)  : i32 {
        %mul3A_101 = arith.constant 2 : i32
        %mul3A_102 = arith.muli %mul3A_101, %scan3A_99 : i32
        %add3A_103 = arith.constant 1 : i32
        %add3A_104 = arith.addi %mul3A_102, %add3A_103 : i32
        %dma_wait3A = arith.constant 0 : i32
        %dma_wait3A_105 = tpu.memref_slice %arg6[%mul3A_102, %dma_wait3A] : memref<16x125xi32, #tpu.memory_space<vmem>> -> memref<1x125xi32, #tpu.memory_space<vmem>>
        %dma_wait3A_106 = tpu.memref_squeeze %dma_wait3A_105 : memref<1x125xi32, #tpu.memory_space<vmem>> -> memref<125xi32, #tpu.memory_space<vmem>>
        %dma_wait3A_107 = arith.constant 0 : i32
        %dma_wait3A_108 = arith.constant 0 : i32
        %dma_wait3A_109 = tpu.memref_slice %arg3[%dma_wait3A_107, %dma_wait3A_108] : memref<10000x128xf32, #tpu.memory_space<hbm>> -> memref<10000x128xf32, #tpu.memory_space<hbm>>
        tpu.wait_indirect_dma semaphore(%arg13 : memref<!tpu.dma_semaphore, #tpu.memory_space<semaphore_mem>>) src(%dma_wait3A_109 : memref<10000x128xf32, #tpu.memory_space<hbm>>) dst(%arg8 : memref<125x128xf32, #tpu.memory_space<vmem>>)
        %dma_start3A_110 = arith.constant 0 : i32
        %dma_start3A_111 = tpu.memref_slice %arg6[%add3A_104, %dma_start3A_110] : memref<16x125xi32, #tpu.memory_space<vmem>> -> memref<1x125xi32, #tpu.memory_space<vmem>>
        %dma_start3A_112 = tpu.memref_squeeze %dma_start3A_111 : memref<1x125xi32, #tpu.memory_space<vmem>> -> memref<125xi32, #tpu.memory_space<vmem>>
        %dma_start3A_113 = arith.constant 0 : i32
        %dma_start3A_114 = arith.constant 0 : i32
        %dma_start3A_115 = tpu.memref_slice %arg3[%dma_start3A_113, %dma_start3A_114] : memref<10000x128xf32, #tpu.memory_space<hbm>> -> memref<10000x128xf32, #tpu.memory_space<hbm>>
        tpu.enqueue_indirect_dma source(%dma_start3A_115 : memref<10000x128xf32, #tpu.memory_space<hbm>>) target(%arg9 : memref<125x128xf32, #tpu.memory_space<vmem>>) offsets(%dma_start3A_112 : memref<125xi32, #tpu.memory_space<vmem>>) semaphore(%arg14 : memref<!tpu.dma_semaphore, #tpu.memory_space<semaphore_mem>>)
        %dma_start3A_116 = arith.constant 0 : i32
        %dma_start3A_117 = tpu.memref_slice %arg7[%mul3A_102, %dma_start3A_116] : memref<16x125xi32, #tpu.memory_space<vmem>> -> memref<1x125xi32, #tpu.memory_space<vmem>>
        %dma_start3A_118 = tpu.memref_squeeze %dma_start3A_117 : memref<1x125xi32, #tpu.memory_space<vmem>> -> memref<125xi32, #tpu.memory_space<vmem>>
        %dma_start3A_119 = arith.constant 0 : i32
        %dma_start3A_120 = arith.constant 0 : i32
        %dma_start3A_121 = tpu.memref_slice %arg12[%dma_start3A_119, %dma_start3A_120] : memref<10000x16xf32, #tpu.memory_space<vmem_shared>> -> memref<10000x16xf32, #tpu.memory_space<vmem_shared>>
        tpu.enqueue_indirect_dma source(%arg10 : memref<125x16xf32, #tpu.memory_space<vmem>>) target(%dma_start3A_121 : memref<10000x16xf32, #tpu.memory_space<vmem_shared>>) offsets(%dma_start3A_118 : memref<125xi32, #tpu.memory_space<vmem>>) semaphore(%arg15 : memref<!tpu.dma_semaphore, #tpu.memory_space<semaphore_mem>>) {add = true}
        "tpu.region"() ({
          %run_scoped3A = tpu.sem_alloc : memref<!tpu.dma_semaphore, #tpu.memory_space<semaphore_mem>>
          %dma_start3A_139 = arith.constant 0 : i32
          %dma_start3A_140 = tpu.memref_slice %arg7[%mul3A_102, %dma_start3A_139] : memref<16x125xi32, #tpu.memory_space<vmem>> -> memref<1x125xi32, #tpu.memory_space<vmem>>
          %dma_start3A_141 = tpu.memref_squeeze %dma_start3A_140 : memref<1x125xi32, #tpu.memory_space<vmem>> -> memref<125xi32, #tpu.memory_space<vmem>>
          %dma_start3A_142 = arith.constant 0 : i32
          %dma_start3A_143 = arith.constant 0 : i32
          %dma_start3A_144 = tpu.memref_slice %arg11[%dma_start3A_142, %dma_start3A_143] : memref<10000x128xf32, #tpu.memory_space<vmem_shared>> -> memref<10000x128xf32, #tpu.memory_space<vmem_shared>>
          tpu.enqueue_indirect_dma source(%arg8 : memref<125x128xf32, #tpu.memory_space<vmem>>) target(%dma_start3A_144 : memref<10000x128xf32, #tpu.memory_space<vmem_shared>>) offsets(%dma_start3A_141 : memref<125xi32, #tpu.memory_space<vmem>>) semaphore(%run_scoped3A : memref<!tpu.dma_semaphore, #tpu.memory_space<semaphore_mem>>) {add = true}
          %dma_wait3A_145 = arith.constant 0 : i32
          %dma_wait3A_146 = tpu.memref_slice %arg7[%mul3A_102, %dma_wait3A_145] : memref<16x125xi32, #tpu.memory_space<vmem>> -> memref<1x125xi32, #tpu.memory_space<vmem>>
          %dma_wait3A_147 = tpu.memref_squeeze %dma_wait3A_146 : memref<1x125xi32, #tpu.memory_space<vmem>> -> memref<125xi32, #tpu.memory_space<vmem>>
          %dma_wait3A_148 = arith.constant 0 : i32
          %dma_wait3A_149 = arith.constant 0 : i32
          %dma_wait3A_150 = tpu.memref_slice %arg11[%dma_wait3A_148, %dma_wait3A_149] : memref<10000x128xf32, #tpu.memory_space<vmem_shared>> -> memref<10000x128xf32, #tpu.memory_space<vmem_shared>>
          tpu.wait_indirect_dma semaphore(%run_scoped3A : memref<!tpu.dma_semaphore, #tpu.memory_space<semaphore_mem>>) src(%arg8 : memref<125x128xf32, #tpu.memory_space<vmem>>) dst(%dma_wait3A_150 : memref<10000x128xf32, #tpu.memory_space<vmem_shared>>)
          tpu.yield
        }) : () -> ()
        %add3A_122 = arith.constant 2 : i32
        %add3A_123 = arith.addi %mul3A_102, %add3A_122 : i32
        %lt3A = arith.constant 16 : i32
        %lt3A_124 = arith.cmpi slt, %add3A_123, %lt3A : i32
        %convert_element_type3A = arith.extui %lt3A_124 : i1 to i32
        %cond3A = arith.constant 0 : i32
        %cond3A_125 = arith.cmpi ne, %convert_element_type3A, %cond3A : i32
        scf.if %cond3A_125 {
          %add3A_139 = arith.constant 2 : i32
          %add3A_140 = arith.addi %mul3A_102, %add3A_139 : i32
          %dma_start3A_141 = arith.constant 0 : i32
          %dma_start3A_142 = tpu.memref_slice %arg6[%add3A_140, %dma_start3A_141] : memref<16x125xi32, #tpu.memory_space<vmem>> -> memref<1x125xi32, #tpu.memory_space<vmem>>
          %dma_start3A_143 = tpu.memref_squeeze %dma_start3A_142 : memref<1x125xi32, #tpu.memory_space<vmem>> -> memref<125xi32, #tpu.memory_space<vmem>>
          %dma_start3A_144 = arith.constant 0 : i32
          %dma_start3A_145 = arith.constant 0 : i32
          %dma_start3A_146 = tpu.memref_slice %arg3[%dma_start3A_144, %dma_start3A_145] : memref<10000x128xf32, #tpu.memory_space<hbm>> -> memref<10000x128xf32, #tpu.memory_space<hbm>>
          tpu.enqueue_indirect_dma source(%dma_start3A_146 : memref<10000x128xf32, #tpu.memory_space<hbm>>) target(%arg8 : memref<125x128xf32, #tpu.memory_space<vmem>>) offsets(%dma_start3A_143 : memref<125xi32, #tpu.memory_space<vmem>>) semaphore(%arg13 : memref<!tpu.dma_semaphore, #tpu.memory_space<semaphore_mem>>)
        } else {
        }
        %dma_wait3A_126 = arith.constant 0 : i32
        %dma_wait3A_127 = tpu.memref_slice %arg6[%add3A_104, %dma_wait3A_126] : memref<16x125xi32, #tpu.memory_space<vmem>> -> memref<1x125xi32, #tpu.memory_space<vmem>>
        %dma_wait3A_128 = tpu.memref_squeeze %dma_wait3A_127 : memref<1x125xi32, #tpu.memory_space<vmem>> -> memref<125xi32, #tpu.memory_space<vmem>>
        %dma_wait3A_129 = arith.constant 0 : i32
        %dma_wait3A_130 = arith.constant 0 : i32
        %dma_wait3A_131 = tpu.memref_slice %arg3[%dma_wait3A_129, %dma_wait3A_130] : memref<10000x128xf32, #tpu.memory_space<hbm>> -> memref<10000x128xf32, #tpu.memory_space<hbm>>
        tpu.wait_indirect_dma semaphore(%arg14 : memref<!tpu.dma_semaphore, #tpu.memory_space<semaphore_mem>>) src(%dma_wait3A_131 : memref<10000x128xf32, #tpu.memory_space<hbm>>) dst(%arg9 : memref<125x128xf32, #tpu.memory_space<vmem>>)
        %dma_start3A_132 = arith.constant 0 : i32
        %dma_start3A_133 = tpu.memref_slice %arg7[%add3A_104, %dma_start3A_132] : memref<16x125xi32, #tpu.memory_space<vmem>> -> memref<1x125xi32, #tpu.memory_space<vmem>>
        %dma_start3A_134 = tpu.memref_squeeze %dma_start3A_133 : memref<1x125xi32, #tpu.memory_space<vmem>> -> memref<125xi32, #tpu.memory_space<vmem>>
        %dma_start3A_135 = arith.constant 0 : i32
        %dma_start3A_136 = arith.constant 0 : i32
        %dma_start3A_137 = tpu.memref_slice %arg12[%dma_start3A_135, %dma_start3A_136] : memref<10000x16xf32, #tpu.memory_space<vmem_shared>> -> memref<10000x16xf32, #tpu.memory_space<vmem_shared>>
        tpu.enqueue_indirect_dma source(%arg10 : memref<125x16xf32, #tpu.memory_space<vmem>>) target(%dma_start3A_137 : memref<10000x16xf32, #tpu.memory_space<vmem_shared>>) offsets(%dma_start3A_134 : memref<125xi32, #tpu.memory_space<vmem>>) semaphore(%arg15 : memref<!tpu.dma_semaphore, #tpu.memory_space<semaphore_mem>>) {add = true}
        "tpu.region"() ({
          %run_scoped3A = tpu.sem_alloc : memref<!tpu.dma_semaphore, #tpu.memory_space<semaphore_mem>>
          %dma_start3A_139 = arith.constant 0 : i32
          %dma_start3A_140 = tpu.memref_slice %arg7[%add3A_104, %dma_start3A_139] : memref<16x125xi32, #tpu.memory_space<vmem>> -> memref<1x125xi32, #tpu.memory_space<vmem>>
          %dma_start3A_141 = tpu.memref_squeeze %dma_start3A_140 : memref<1x125xi32, #tpu.memory_space<vmem>> -> memref<125xi32, #tpu.memory_space<vmem>>
          %dma_start3A_142 = arith.constant 0 : i32
          %dma_start3A_143 = arith.constant 0 : i32
          %dma_start3A_144 = tpu.memref_slice %arg11[%dma_start3A_142, %dma_start3A_143] : memref<10000x128xf32, #tpu.memory_space<vmem_shared>> -> memref<10000x128xf32, #tpu.memory_space<vmem_shared>>
          tpu.enqueue_indirect_dma source(%arg9 : memref<125x128xf32, #tpu.memory_space<vmem>>) target(%dma_start3A_144 : memref<10000x128xf32, #tpu.memory_space<vmem_shared>>) offsets(%dma_start3A_141 : memref<125xi32, #tpu.memory_space<vmem>>) semaphore(%run_scoped3A : memref<!tpu.dma_semaphore, #tpu.memory_space<semaphore_mem>>) {add = true}
          %dma_wait3A_145 = arith.constant 0 : i32
          %dma_wait3A_146 = tpu.memref_slice %arg7[%add3A_104, %dma_wait3A_145] : memref<16x125xi32, #tpu.memory_space<vmem>> -> memref<1x125xi32, #tpu.memory_space<vmem>>
          %dma_wait3A_147 = tpu.memref_squeeze %dma_wait3A_146 : memref<1x125xi32, #tpu.memory_space<vmem>> -> memref<125xi32, #tpu.memory_space<vmem>>
          %dma_wait3A_148 = arith.constant 0 : i32
          %dma_wait3A_149 = arith.constant 0 : i32
          %dma_wait3A_150 = tpu.memref_slice %arg11[%dma_wait3A_148, %dma_wait3A_149] : memref<10000x128xf32, #tpu.memory_space<vmem_shared>> -> memref<10000x128xf32, #tpu.memory_space<vmem_shared>>
          tpu.wait_indirect_dma semaphore(%run_scoped3A : memref<!tpu.dma_semaphore, #tpu.memory_space<semaphore_mem>>) src(%arg9 : memref<125x128xf32, #tpu.memory_space<vmem>>) dst(%dma_wait3A_150 : memref<10000x128xf32, #tpu.memory_space<vmem_shared>>)
          tpu.yield
        }) : () -> ()
        %scan3A_138 = arith.constant 0 : i32
        scf.yield %scan3A_138 : i32
      }
      %scan3A_90 = arith.constant 8 : i32
      %scan3A_91 = arith.constant 0 : i32
      %scan3A_92 = arith.constant 0 : i32
      %scan3A_93 = arith.constant 16 : i32
      %scan3A_94 = arith.addi %scan3A_92, %scan3A_93 : i32
      %scan3A_95 = arith.constant 1 : i32
      %scan3A_96 = scf.for %scan3A_99 = %scan3A_92 to %scan3A_94 step %scan3A_95 iter_args(%scan3A_100 = %scan3A_91) -> (i32)  : i32 {
        %dma_wait3A = arith.constant 0 : i32
        %dma_wait3A_101 = tpu.memref_slice %arg7[%scan3A_99, %dma_wait3A] : memref<16x125xi32, #tpu.memory_space<vmem>> -> memref<1x125xi32, #tpu.memory_space<vmem>>
        %dma_wait3A_102 = tpu.memref_squeeze %dma_wait3A_101 : memref<1x125xi32, #tpu.memory_space<vmem>> -> memref<125xi32, #tpu.memory_space<vmem>>
        %dma_wait3A_103 = arith.constant 0 : i32
        %dma_wait3A_104 = arith.constant 0 : i32
        %dma_wait3A_105 = tpu.memref_slice %arg12[%dma_wait3A_103, %dma_wait3A_104] : memref<10000x16xf32, #tpu.memory_space<vmem_shared>> -> memref<10000x16xf32, #tpu.memory_space<vmem_shared>>
        tpu.wait_indirect_dma semaphore(%arg15 : memref<!tpu.dma_semaphore, #tpu.memory_space<semaphore_mem>>) src(%arg10 : memref<125x16xf32, #tpu.memory_space<vmem>>) dst(%dma_wait3A_105 : memref<10000x16xf32, #tpu.memory_space<vmem_shared>>)
        %scan3A_106 = arith.constant 0 : i32
        scf.yield %scan3A_106 : i32
      }
      %scan3A_97 = arith.constant 16 : i32
      %scan3A_98 = arith.constant 0 : i32
      scf.yield %scan3A_98 : i32
    }
    %scan3A_62 = arith.constant 5 : i32
    %barrier3A_63 = arith.constant 0 : index
    tpu.barrier barrier_id(%barrier3A_63)
    %mul3A_64 = arith.constant 625 : i32
    %mul3A_65 = arith.muli %arg1, %mul3A_64 : i32
    %mul3A_66 = arith.constant 625 : i32
    %mul3A_67 = arith.muli %arg1, %mul3A_66 : i32
    "tpu.region"() ({
      %run_scoped3A = tpu.sem_alloc : memref<!tpu.dma_semaphore, #tpu.memory_space<semaphore_mem>>
      %dma_start3A = arith.constant 0 : i32
      %dma_start3A_72 = arith.constant 0 : i32
      %dma_start3A_73 = tpu.memref_slice %arg4[%arg0, %dma_start3A, %dma_start3A_72] : memref<2x10000x128xf32, #tpu.memory_space<hbm>> -> memref<1x10000x128xf32, #tpu.memory_space<hbm>>
      %dma_start3A_74 = tpu.memref_squeeze %dma_start3A_73 : memref<1x10000x128xf32, #tpu.memory_space<hbm>> -> memref<10000x128xf32, #tpu.memory_space<hbm>>
      %dma_start3A_75 = arith.constant 0 : i32
      %dma_start3A_76 = tpu.memref_slice %dma_start3A_74[%mul3A_67, %dma_start3A_75] : memref<10000x128xf32, #tpu.memory_space<hbm>> -> memref<625x128xf32, #tpu.memory_space<hbm>>
      %dma_start3A_77 = arith.constant 0 : i32
      %dma_start3A_78 = tpu.memref_slice %arg11[%mul3A_65, %dma_start3A_77] : memref<10000x128xf32, #tpu.memory_space<vmem_shared>> -> memref<625x128xf32, #tpu.memory_space<vmem_shared>>
      tpu.enqueue_dma source(%dma_start3A_78 : memref<625x128xf32, #tpu.memory_space<vmem_shared>>) target(%dma_start3A_76 : memref<625x128xf32, #tpu.memory_space<hbm>>) target_semaphore(%run_scoped3A : memref<!tpu.dma_semaphore, #tpu.memory_space<semaphore_mem>>)
      %dma_wait3A = arith.constant 0 : i32
      %dma_wait3A_79 = arith.constant 0 : i32
      %dma_wait3A_80 = tpu.memref_slice %arg4[%arg0, %dma_wait3A, %dma_wait3A_79] : memref<2x10000x128xf32, #tpu.memory_space<hbm>> -> memref<1x10000x128xf32, #tpu.memory_space<hbm>>
      %dma_wait3A_81 = tpu.memref_squeeze %dma_wait3A_80 : memref<1x10000x128xf32, #tpu.memory_space<hbm>> -> memref<10000x128xf32, #tpu.memory_space<hbm>>
      %dma_wait3A_82 = arith.constant 0 : i32
      %dma_wait3A_83 = tpu.memref_slice %dma_wait3A_81[%mul3A_67, %dma_wait3A_82] : memref<10000x128xf32, #tpu.memory_space<hbm>> -> memref<625x128xf32, #tpu.memory_space<hbm>>
      %dma_wait3A_84 = arith.constant 0 : i32
      %dma_wait3A_85 = tpu.memref_slice %arg11[%mul3A_65, %dma_wait3A_84] : memref<10000x128xf32, #tpu.memory_space<vmem_shared>> -> memref<625x128xf32, #tpu.memory_space<vmem_shared>>
      tpu.wait_dma2 semaphore(%run_scoped3A : memref<!tpu.dma_semaphore, #tpu.memory_space<semaphore_mem>>) src(%dma_wait3A_85 : memref<625x128xf32, #tpu.memory_space<vmem_shared>>) dst(%dma_wait3A_83 : memref<625x128xf32, #tpu.memory_space<hbm>>)
      tpu.yield
    }) : () -> ()
    %mul3A_68 = arith.constant 625 : i32
    %mul3A_69 = arith.muli %arg1, %mul3A_68 : i32
    %mul3A_70 = arith.constant 625 : i32
    %mul3A_71 = arith.muli %arg1, %mul3A_70 : i32
    "tpu.region"() ({
      %run_scoped3A = tpu.sem_alloc : memref<!tpu.dma_semaphore, #tpu.memory_space<semaphore_mem>>
      %dma_start3A = arith.constant 0 : i32
      %dma_start3A_72 = arith.constant 0 : i32
      %dma_start3A_73 = tpu.memref_slice %arg5[%arg0, %dma_start3A, %dma_start3A_72] : memref<2x10000x16xf32, #tpu.memory_space<hbm>> -> memref<1x10000x16xf32, #tpu.memory_space<hbm>>
      %dma_start3A_74 = tpu.memref_squeeze %dma_start3A_73 : memref<1x10000x16xf32, #tpu.memory_space<hbm>> -> memref<10000x16xf32, #tpu.memory_space<hbm>>
      %dma_start3A_75 = arith.constant 0 : i32
      %dma_start3A_76 = tpu.memref_slice %dma_start3A_74[%mul3A_71, %dma_start3A_75] : memref<10000x16xf32, #tpu.memory_space<hbm>> -> memref<625x16xf32, #tpu.memory_space<hbm>>
      %dma_start3A_77 = arith.constant 0 : i32
      %dma_start3A_78 = tpu.memref_slice %arg12[%mul3A_69, %dma_start3A_77] : memref<10000x16xf32, #tpu.memory_space<vmem_shared>> -> memref<625x16xf32, #tpu.memory_space<vmem_shared>>
      tpu.enqueue_dma source(%dma_start3A_78 : memref<625x16xf32, #tpu.memory_space<vmem_shared>>) target(%dma_start3A_76 : memref<625x16xf32, #tpu.memory_space<hbm>>) target_semaphore(%run_scoped3A : memref<!tpu.dma_semaphore, #tpu.memory_space<semaphore_mem>>)
      %dma_wait3A = arith.constant 0 : i32
      %dma_wait3A_79 = arith.constant 0 : i32
      %dma_wait3A_80 = tpu.memref_slice %arg5[%arg0, %dma_wait3A, %dma_wait3A_79] : memref<2x10000x16xf32, #tpu.memory_space<hbm>> -> memref<1x10000x16xf32, #tpu.memory_space<hbm>>
      %dma_wait3A_81 = tpu.memref_squeeze %dma_wait3A_80 : memref<1x10000x16xf32, #tpu.memory_space<hbm>> -> memref<10000x16xf32, #tpu.memory_space<hbm>>
      %dma_wait3A_82 = arith.constant 0 : i32
      %dma_wait3A_83 = tpu.memref_slice %dma_wait3A_81[%mul3A_71, %dma_wait3A_82] : memref<10000x16xf32, #tpu.memory_space<hbm>> -> memref<625x16xf32, #tpu.memory_space<hbm>>
      %dma_wait3A_84 = arith.constant 0 : i32
      %dma_wait3A_85 = tpu.memref_slice %arg12[%mul3A_69, %dma_wait3A_84] : memref<10000x16xf32, #tpu.memory_space<vmem_shared>> -> memref<625x16xf32, #tpu.memory_space<vmem_shared>>
      tpu.wait_dma2 semaphore(%run_scoped3A : memref<!tpu.dma_semaphore, #tpu.memory_space<semaphore_mem>>) src(%dma_wait3A_85 : memref<625x16xf32, #tpu.memory_space<vmem_shared>>) dst(%dma_wait3A_83 : memref<625x16xf32, #tpu.memory_space<hbm>>)
      tpu.yield
    }) : () -> ()
    return
  }
}

module attributes {stable_mosaic.version = 14 : i64} {
  func.func @_tc1_body(%arg0: memref<10000x128xf32, #tpu.memory_space<vmem>>, %arg1: memref<128x128xf32, #tpu.memory_space<vmem>>, %arg2: memref<1x128xf32, #tpu.memory_space<vmem>>, %arg3: memref<1x128xf32, #tpu.memory_space<vmem>>, %arg4: memref<1x128xf32, #tpu.memory_space<vmem>>, %arg5: memref<10000x128xf32, #tpu.memory_space<vmem>>) attributes {dimension_semantics = [], scalar_prefetch = 0 : i64, scratch_operands = 0 : i64, tpu.core_type = #tpu.core_type<tc>} {
    %get3A = arith.constant 0 : index
    %get3A_0 = arith.constant 0 : index
    %get3A_1 = vector.load %arg0[%get3A, %get3A_0] : memref<10000x128xf32, #tpu.memory_space<vmem>>, vector<10000x128xf32>
    %get3A_2 = arith.constant 0 : index
    %get3A_3 = arith.constant 0 : index
    %get3A_4 = vector.load %arg1[%get3A_2, %get3A_3] : memref<128x128xf32, #tpu.memory_space<vmem>>, vector<128x128xf32>
    %dot_general3A = arith.constant dense<0.000000e+00> : vector<10000x128xf32>
    %dot_general3A_5 = tpu.matmul %get3A_1, %get3A_4, %dot_general3A {dimension_numbers = #tpu.dot_dimension_numbers<[1], [0], [0], [1], [0, 0, 1, 1], [], []>, transpose_lhs_hint = false} : vector<10000x128xf32>, vector<128x128xf32>, vector<10000x128xf32> -> vector<10000x128xf32>
    %get3A_6 = arith.constant 0 : index
    %get3A_7 = arith.constant 0 : index
    %get3A_8 = vector.load %arg2[%get3A_6, %get3A_7] : memref<1x128xf32, #tpu.memory_space<vmem>>, vector<1x128xf32>
    %add3A = vector.broadcast %get3A_8 : vector<1x128xf32> to vector<10000x128xf32>
    %add3A_9 = arith.addf %dot_general3A_5, %add3A : vector<10000x128xf32>
    %reduce_sum3A = arith.constant dense<0.000000e+00> : vector<128xf32>
    %reduce_sum3A_10 = vector.multi_reduction <add>, %add3A_9, %reduce_sum3A [0] : vector<10000x128xf32> to vector<128xf32>
    %broadcast_in_dim3A = vector.shape_cast %reduce_sum3A_10 : vector<128xf32> to vector<1x128xf32>
    %div3A = arith.constant 1.000000e+04 : f32
    %div3A_11 = vector.broadcast %div3A : f32 to vector<1x128xf32>
    %div3A_12 = arith.divf %broadcast_in_dim3A, %div3A_11 : vector<1x128xf32>
    %sub3A = vector.broadcast %div3A_12 : vector<1x128xf32> to vector<10000x128xf32>
    %sub3A_13 = arith.subf %add3A_9, %sub3A : vector<10000x128xf32>
    %mul3A = arith.mulf %sub3A_13, %sub3A_13 : vector<10000x128xf32>
    %reduce_sum3A_14 = arith.constant dense<0.000000e+00> : vector<128xf32>
    %reduce_sum3A_15 = vector.multi_reduction <add>, %mul3A, %reduce_sum3A_14 [0] : vector<10000x128xf32> to vector<128xf32>
    %broadcast_in_dim3A_16 = vector.shape_cast %reduce_sum3A_15 : vector<128xf32> to vector<1x128xf32>
    %div3A_17 = arith.constant 1.000000e+04 : f32
    %div3A_18 = vector.broadcast %div3A_17 : f32 to vector<1x128xf32>
    %div3A_19 = arith.divf %broadcast_in_dim3A_16, %div3A_18 : vector<1x128xf32>
    %sub3A_20 = vector.broadcast %div3A_12 : vector<1x128xf32> to vector<10000x128xf32>
    %sub3A_21 = arith.subf %add3A_9, %sub3A_20 : vector<10000x128xf32>
    %add3A_22 = arith.constant 9.99999974E-6 : f32
    %add3A_23 = vector.broadcast %add3A_22 : f32 to vector<1x128xf32>
    %add3A_24 = arith.addf %div3A_19, %add3A_23 : vector<1x128xf32>
    %rsqrt3A = math.rsqrt %add3A_24 : vector<1x128xf32>
    %mul3A_25 = vector.broadcast %rsqrt3A : vector<1x128xf32> to vector<10000x128xf32>
    %mul3A_26 = arith.mulf %sub3A_21, %mul3A_25 : vector<10000x128xf32>
    %get3A_27 = arith.constant 0 : index
    %get3A_28 = arith.constant 0 : index
    %get3A_29 = vector.load %arg3[%get3A_27, %get3A_28] : memref<1x128xf32, #tpu.memory_space<vmem>>, vector<1x128xf32>
    %mul3A_30 = vector.broadcast %get3A_29 : vector<1x128xf32> to vector<10000x128xf32>
    %mul3A_31 = arith.mulf %mul3A_26, %mul3A_30 : vector<10000x128xf32>
    %get3A_32 = arith.constant 0 : index
    %get3A_33 = arith.constant 0 : index
    %get3A_34 = vector.load %arg4[%get3A_32, %get3A_33] : memref<1x128xf32, #tpu.memory_space<vmem>>, vector<1x128xf32>
    %add3A_35 = vector.broadcast %get3A_34 : vector<1x128xf32> to vector<10000x128xf32>
    %add3A_36 = arith.addf %mul3A_31, %add3A_35 : vector<10000x128xf32>
    %max3A = arith.constant 0.000000e+00 : f32
    %max3A_37 = vector.broadcast %max3A : f32 to vector<10000x128xf32>
    %max3A_38 = arith.maximumf %add3A_36, %max3A_37 : vector<10000x128xf32>
    %swap3A = arith.constant 0 : index
    %swap3A_39 = arith.constant 0 : index
    %swap3A_40 = vector.load %arg5[%swap3A, %swap3A_39] : memref<10000x128xf32, #tpu.memory_space<vmem>>, vector<10000x128xf32>
    tpu.vector_store %arg5[%swap3A, %swap3A_39], %max3A_38 {strides = array<i32>} : memref<10000x128xf32, #tpu.memory_space<vmem>>, vector<10000x128xf32>,
    return
  }
}

module attributes {stable_mosaic.version = 14 : i64} {
  func.func @_tc2_body(%arg0: memref<2x10000x128xf32, #tpu.memory_space<vmem>>, %arg1: memref<2x10000x16xf32, #tpu.memory_space<vmem>>, %arg2: memref<10000x128xf32, #tpu.memory_space<vmem>>, %arg3: memref<128x128xf32, #tpu.memory_space<vmem>>, %arg4: memref<1x128xf32, #tpu.memory_space<vmem>>, %arg5: memref<128x128xf32, #tpu.memory_space<vmem>>, %arg6: memref<1x128xf32, #tpu.memory_space<vmem>>, %arg7: memref<1x128xf32, #tpu.memory_space<vmem>>, %arg8: memref<10000x128xf32, #tpu.memory_space<vmem>>) attributes {dimension_semantics = [], scalar_prefetch = 0 : i64, scratch_operands = 0 : i64, tpu.core_type = #tpu.core_type<tc>} {
    %get3A = arith.constant 0 : index
    %get3A_0 = arith.constant 0 : index
    %get3A_1 = arith.constant 0 : index
    %get3A_2 = vector.load %arg0[%get3A, %get3A_0, %get3A_1] : memref<2x10000x128xf32, #tpu.memory_space<vmem>>, vector<1x10000x128xf32>
    %get3A_3 = vector.shape_cast %get3A_2 : vector<1x10000x128xf32> to vector<10000x128xf32>
    %get3A_4 = arith.constant 1 : index
    %get3A_5 = arith.constant 0 : index
    %get3A_6 = arith.constant 0 : index
    %get3A_7 = vector.load %arg0[%get3A_4, %get3A_5, %get3A_6] : memref<2x10000x128xf32, #tpu.memory_space<vmem>>, vector<1x10000x128xf32>
    %get3A_8 = vector.shape_cast %get3A_7 : vector<1x10000x128xf32> to vector<10000x128xf32>
    %add3A = arith.addf %get3A_3, %get3A_8 : vector<10000x128xf32>
    %get3A_9 = arith.constant 0 : index
    %get3A_10 = arith.constant 0 : index
    %get3A_11 = arith.constant 0 : index
    %get3A_12 = vector.load %arg1[%get3A_9, %get3A_10, %get3A_11] : memref<2x10000x16xf32, #tpu.memory_space<vmem>>, vector<1x10000x1xf32>
    %get3A_13 = vector.shape_cast %get3A_12 : vector<1x10000x1xf32> to vector<10000x1xf32>
    %get3A_14 = arith.constant 1 : index
    %get3A_15 = arith.constant 0 : index
    %get3A_16 = arith.constant 0 : index
    %get3A_17 = vector.load %arg1[%get3A_14, %get3A_15, %get3A_16] : memref<2x10000x16xf32, #tpu.memory_space<vmem>>, vector<1x10000x1xf32>
    %get3A_18 = vector.shape_cast %get3A_17 : vector<1x10000x1xf32> to vector<10000x1xf32>
    %add3A_19 = arith.addf %get3A_13, %get3A_18 : vector<10000x1xf32>
    %max3A = arith.constant 1.000000e+00 : f32
    %max3A_20 = vector.broadcast %max3A : f32 to vector<10000x1xf32>
    %max3A_21 = arith.maximumf %add3A_19, %max3A_20 : vector<10000x1xf32>
    %div3A = vector.broadcast %max3A_21 : vector<10000x1xf32> to vector<10000x128xf32>
    %div3A_22 = arith.divf %add3A, %div3A : vector<10000x128xf32>
    %get3A_23 = arith.constant 0 : index
    %get3A_24 = arith.constant 0 : index
    %get3A_25 = vector.load %arg3[%get3A_23, %get3A_24] : memref<128x128xf32, #tpu.memory_space<vmem>>, vector<128x128xf32>
    %dot_general3A = arith.constant dense<0.000000e+00> : vector<10000x128xf32>
    %dot_general3A_26 = tpu.matmul %div3A_22, %get3A_25, %dot_general3A {dimension_numbers = #tpu.dot_dimension_numbers<[1], [0], [0], [1], [0, 0, 1, 1], [], []>, transpose_lhs_hint = false} : vector<10000x128xf32>, vector<128x128xf32>, vector<10000x128xf32> -> vector<10000x128xf32>
    %get3A_27 = arith.constant 0 : index
    %get3A_28 = arith.constant 0 : index
    %get3A_29 = vector.load %arg4[%get3A_27, %get3A_28] : memref<1x128xf32, #tpu.memory_space<vmem>>, vector<1x128xf32>
    %add3A_30 = vector.broadcast %get3A_29 : vector<1x128xf32> to vector<10000x128xf32>
    %add3A_31 = arith.addf %dot_general3A_26, %add3A_30 : vector<10000x128xf32>
    %get3A_32 = arith.constant 0 : index
    %get3A_33 = arith.constant 0 : index
    %get3A_34 = vector.load %arg2[%get3A_32, %get3A_33] : memref<10000x128xf32, #tpu.memory_space<vmem>>, vector<10000x128xf32>
    %get3A_35 = arith.constant 0 : index
    %get3A_36 = arith.constant 0 : index
    %get3A_37 = vector.load %arg5[%get3A_35, %get3A_36] : memref<128x128xf32, #tpu.memory_space<vmem>>, vector<128x128xf32>
    %dot_general3A_38 = arith.constant dense<0.000000e+00> : vector<10000x128xf32>
    %dot_general3A_39 = tpu.matmul %get3A_34, %get3A_37, %dot_general3A_38 {dimension_numbers = #tpu.dot_dimension_numbers<[1], [0], [0], [1], [0, 0, 1, 1], [], []>, transpose_lhs_hint = false} : vector<10000x128xf32>, vector<128x128xf32>, vector<10000x128xf32> -> vector<10000x128xf32>
    %add3A_40 = arith.addf %add3A_31, %dot_general3A_39 : vector<10000x128xf32>
    %reduce_sum3A = arith.constant dense<0.000000e+00> : vector<128xf32>
    %reduce_sum3A_41 = vector.multi_reduction <add>, %add3A_40, %reduce_sum3A [0] : vector<10000x128xf32> to vector<128xf32>
    %broadcast_in_dim3A = vector.shape_cast %reduce_sum3A_41 : vector<128xf32> to vector<1x128xf32>
    %div3A_42 = arith.constant 1.000000e+04 : f32
    %div3A_43 = vector.broadcast %div3A_42 : f32 to vector<1x128xf32>
    %div3A_44 = arith.divf %broadcast_in_dim3A, %div3A_43 : vector<1x128xf32>
    %sub3A = vector.broadcast %div3A_44 : vector<1x128xf32> to vector<10000x128xf32>
    %sub3A_45 = arith.subf %add3A_40, %sub3A : vector<10000x128xf32>
    %mul3A = arith.mulf %sub3A_45, %sub3A_45 : vector<10000x128xf32>
    %reduce_sum3A_46 = arith.constant dense<0.000000e+00> : vector<128xf32>
    %reduce_sum3A_47 = vector.multi_reduction <add>, %mul3A, %reduce_sum3A_46 [0] : vector<10000x128xf32> to vector<128xf32>
    %broadcast_in_dim3A_48 = vector.shape_cast %reduce_sum3A_47 : vector<128xf32> to vector<1x128xf32>
    %div3A_49 = arith.constant 1.000000e+04 : f32
    %div3A_50 = vector.broadcast %div3A_49 : f32 to vector<1x128xf32>
    %div3A_51 = arith.divf %broadcast_in_dim3A_48, %div3A_50 : vector<1x128xf32>
    %sub3A_52 = vector.broadcast %div3A_44 : vector<1x128xf32> to vector<10000x128xf32>
    %sub3A_53 = arith.subf %add3A_40, %sub3A_52 : vector<10000x128xf32>
    %add3A_54 = arith.constant 9.99999974E-6 : f32
    %add3A_55 = vector.broadcast %add3A_54 : f32 to vector<1x128xf32>
    %add3A_56 = arith.addf %div3A_51, %add3A_55 : vector<1x128xf32>
    %rsqrt3A = math.rsqrt %add3A_56 : vector<1x128xf32>
    %mul3A_57 = vector.broadcast %rsqrt3A : vector<1x128xf32> to vector<10000x128xf32>
    %mul3A_58 = arith.mulf %sub3A_53, %mul3A_57 : vector<10000x128xf32>
    %get3A_59 = arith.constant 0 : index
    %get3A_60 = arith.constant 0 : index
    %get3A_61 = vector.load %arg6[%get3A_59, %get3A_60] : memref<1x128xf32, #tpu.memory_space<vmem>>, vector<1x128xf32>
    %mul3A_62 = vector.broadcast %get3A_61 : vector<1x128xf32> to vector<10000x128xf32>
    %mul3A_63 = arith.mulf %mul3A_58, %mul3A_62 : vector<10000x128xf32>
    %get3A_64 = arith.constant 0 : index
    %get3A_65 = arith.constant 0 : index
    %get3A_66 = vector.load %arg7[%get3A_64, %get3A_65] : memref<1x128xf32, #tpu.memory_space<vmem>>, vector<1x128xf32>
    %add3A_67 = vector.broadcast %get3A_66 : vector<1x128xf32> to vector<10000x128xf32>
    %add3A_68 = arith.addf %mul3A_63, %add3A_67 : vector<10000x128xf32>
    %swap3A = arith.constant 0 : index
    %swap3A_69 = arith.constant 0 : index
    %swap3A_70 = vector.load %arg8[%swap3A, %swap3A_69] : memref<10000x128xf32, #tpu.memory_space<vmem>>, vector<10000x128xf32>
    tpu.vector_store %arg8[%swap3A, %swap3A_69], %add3A_68 {strides = array<i32>} : memref<10000x128xf32, #tpu.memory_space<vmem>>, vector<10000x128xf32>,
    return
  }
}

</mosaic_0001>

<sc_bundles>
// kernel: kernel.5.cloned.1.call-start
scs
__scs_entry_jumppad:
0x0: {  	(pc) =	sbr.rel $0x88, $3  }
0x1: {  	(tag) =	ssettag $0x0;
	lr =	simm.s32 $0x1  }
0x2: {  	[smem:$0x3F96] =	sst lr;
	_ =	strace $0xD0000000  }
0x3: {  	_ = 	snop  }
0x4: {  	_ = 	snop  }
0x5: {  	_ = 	snop  }
0x6: {  	_ = 	snop  }
0x7: {  	_ = 	snop  }
__scs_overlays_trampoline_lowered:
0x8: {  	[smem:$0x3FA5] =	sst s0  }
0x9: {  	[smem:$0x3FA6] =	sst s1  }
0xa: {  	[smem:$0x3FA7] =	sst s2  }
0xb: {  	[smem:$0x3FA8] =	sst s3  }
0xc: {  	[smem:$0x3FA9] =	sst s4  }
0xd: {  	[smem:$0x3FAA] =	sst s5  }
0xe: {  	[smem:$0x3FAB] =	sst s6  }
0xf: {  	[smem:$0x3FAC] =	sst s7  }
0x10: {  	[smem:$0x3FAD] =	sst s8  }
0x11: {  	[smem:$0x3FAE] =	sst s9;
	s0 =	simm.s32 @!p0 $0x0  }
0x12: {  	s1 =	sld [smem:$0x3F94];
	s0 =	simm.s32 @p0 $0x1  }
0x13: {  	[smem:$0x3FAF] =	sst s0;
	s0 =	simm.s32 @!p1 $0x0  }
0x14: {  	s2 =	sld [smem:$0x3F93];
	s0 =	simm.s32 @p1 $0x1  }
0x15: {  	[smem:$0x3FB0] =	sst s0;
	s0 =	simm.s32 @!p2 $0x0  }
0x16: {  	s3 =	sld [smem:$0x3FDB];
	s0 =	simm.s32 @p2 $0x1  }
0x17: {  	s4 =	simm.s32 $0x1BF5;
	[smem:$0x3FB2] =	sst s0  }
0x18: {  	s0 =	sld [smem:$0x3F95];
	_ =	swait.ge [sflag:s4], $0x0  }
0x19: {  	s7 =	sld [smem:$0x3F96]  }
0x1a: {  	s8 =	sadd.s32 $0xFFFFE003, lr  }
0x1b: {  	s9 =	sadd.s32 $0xFFFFFEF7, lr;
	s5 =	simm.s32 $0xFFFFFFFF;
	p2 =	slt.u32 s8, $0xFFFFF086  }
0x1c: {  	p1 =	slt.u32 s9, $0xF7A;
	s5 =	simm.s32 @!p2 $0x0  }
0x1d: {  	s5 =	simm.s32 @p1 $0x1;
	p0 =	seq.s32 s7, s2  }
0x1e: {  	s7 =	smul.u32 @!p0 $0xF7A, s2;
	p2 =	seq.s32 @!p0 s5, $0x0  }
0x1f: {  	s9 =	smul.u32 $0xF7A, s1;
	s8 =	simm.s32 @!p0 $0x1BF5;
	p2 =	por !p2, p0  }
0x20: {  	[sflag:s8] =	ssyncset.s32 @!p0 $0xFFFFF086;
	s6 =	sadd.s32 @!p0 s3, s7;
	s7 =	simm.s32 @!p0 $0x108  }
0x21: {  	s3 =	sadd.s32 s3, s9;
	s6 =	sadd.s32 @!p0 $0x88, s6;
	s7 =	simm.s32 @p2 $0x1082  }
0x22: {  	[simem:s7], [sflag:s8] =	dma.local @!p0 [hbm:s6], $0xF7A  }
0x23: {  	s9 =	sor.u32 $0xD0000000, s2;
	s6 =	simm.s32 $0x108;
	_ =	swait.ge @!p0 [sflag:s8], $0x0  }
0x24: {  	s3 =	sadd.s32 $0x88, s3;
	s6 =	simm.s32 @!p1 $0x1082;
	[sflag:s4] =	ssyncset.s32 $0xFFFFF086  }
0x25: {  	[simem:s6], [sflag:s4] =	dma.local [hbm:s3], $0xF7A  }
0x26: {  	[smem:$0x3F96] =	sst s1;
	(tag) =	ssettag s2;
	_ =	strace s9  }
0x27: {  	s1 =	sld [smem:$0x3FA6]  }
0x28: {  	s2 =	sld [smem:$0x3FA7]  }
0x29: {  	s4 =	sld [smem:$0x3FA9]  }
0x2a: {  	p0 =	seq.s32 s5, $0x0;
	s5 =	sld [smem:$0x3FAA]  }
0x2b: {  	s6 =	sld [smem:$0x3FAB]  }
0x2c: {  	s7 =	sld [smem:$0x3FAC]  }
0x2d: {  	s3 =	simm.s32 $0x108;
	s8 =	sld [smem:$0x3FAD]  }
0x2e: {  	s3 =	simm.s32 @!p0 $0x1082;
	s9 =	sld [smem:$0x3FAE]  }
0x2f: {  	lr =	sadd.s32 s0, s3;
	s0 =	sld [smem:$0x3FA5]  }
0x30: {  	s3 =	sld [smem:$0x3FA8]  }
0x31: {  	[smem:$0x3FB1] =	sst s10  }
0x32: {  	s10 =	sld [smem:$0x3FAF];
	_ =	sdelay $0x3  }
0x33: {  	p0 =	seq.s32 s10, $0x1;
	s10 =	sld [smem:$0x3FB1];
	_ =	sdelay $0x3  }
0x34: {  	[smem:$0x3FB1] =	sst s10  }
0x35: {  	s10 =	sld [smem:$0x3FB0];
	_ =	sdelay $0x3  }
0x36: {  	p1 =	seq.s32 s10, $0x1;
	s10 =	sld [smem:$0x3FB1];
	_ =	sdelay $0x3  }
0x37: {  	[smem:$0x3FB1] =	sst s10  }
0x38: {  	s10 =	sld [smem:$0x3FB2]  }
0x39: {  	_ = 	snop;
	(pc) =	sbr.ind lr, $3  }
0x3a: {  	_ = 	snop  }
0x3b: {  	_ = 	snop  }
0x3c: {  	p2 =	seq.s32 s10, $0x1;
	s10 =	sld [smem:$0x3FB1]  }
0x3d: {  	_ =	shalt  }
0x3e: {  	_ =	shalt  }
0x3f: {  	_ =	shalt  }
0x40: {  	_ =	shalt  }
0x41: {  	_ =	shalt  }
0x42: {  	_ =	shalt  }
0x43: {  	_ =	shalt  }
0x44: {  	_ =	shalt  }
0x45: {  	_ =	shalt  }
0x46: {  	_ =	shalt  }
0x47: {  	_ =	shalt  }
0x48: {  	_ =	shalt  }
0x49: {  	_ =	shalt  }
0x4a: {  	_ =	shalt  }
0x4b: {  	_ =	shalt  }
0x4c: {  	_ =	shalt  }
0x4d: {  	_ =	shalt  }
0x4e: {  	_ =	shalt  }
0x4f: {  	_ =	shalt  }
0x50: {  	_ =	shalt  }
0x51: {  	_ =	shalt  }
0x52: {  	_ =	shalt  }
0x53: {  	_ =	shalt  }
0x54: {  	_ =	shalt  }
0x55: {  	_ =	shalt  }
0x56: {  	_ =	shalt  }
0x57: {  	_ =	shalt  }
0x58: {  	_ =	shalt  }
0x59: {  	_ =	shalt  }
0x5a: {  	_ =	shalt  }
0x5b: {  	_ =	shalt  }
0x5c: {  	_ =	shalt  }
0x5d: {  	_ =	shalt  }
0x5e: {  	_ =	shalt  }
0x5f: {  	_ =	shalt  }
0x60: {  	_ =	shalt  }
0x61: {  	_ =	shalt  }
0x62: {  	_ =	shalt  }
0x63: {  	_ =	shalt  }
0x64: {  	_ =	shalt  }
0x65: {  	_ =	shalt  }
0x66: {  	_ =	shalt  }
0x67: {  	_ =	shalt  }
0x68: {  	_ =	shalt  }
0x69: {  	_ =	shalt  }
0x6a: {  	_ =	shalt  }
0x6b: {  	_ =	shalt  }
0x6c: {  	_ =	shalt  }
0x6d: {  	_ =	shalt  }
0x6e: {  	_ =	shalt  }
0x6f: {  	_ =	shalt  }
0x70: {  	_ =	shalt  }
0x71: {  	_ =	shalt  }
0x72: {  	_ =	shalt  }
0x73: {  	_ =	shalt  }
0x74: {  	_ =	shalt  }
0x75: {  	_ =	shalt  }
0x76: {  	_ =	shalt  }
0x77: {  	_ =	shalt  }
0x78: {  	_ =	shalt  }
0x79: {  	_ =	shalt  }
0x7a: {  	_ =	shalt  }
0x7b: {  	_ =	shalt  }
0x7c: {  	_ =	shalt  }
0x7d: {  	_ =	shalt  }
0x7e: {  	_ =	shalt  }
0x7f: {  	_ =	shalt  }
0x80: {  	_ =	shalt  }
0x81: {  	_ =	shalt  }
0x82: {  	_ =	shalt  }
0x83: {  	_ =	shalt  }
0x84: {  	_ =	shalt  }
0x85: {  	_ =	shalt  }
0x86: {  	_ =	shalt  }
0x87: {  	_ =	shalt  }
.Lfunc_end0:
.L_simem_size_0:
called_computation_lowered:
.L_overlay_start_0:
0x88: {  	s2 =	sld [smem:$0x3FD9]  }
0x89: {  	s3 =	sld [smem:$0x3FFE];
	_ =	sdelay $0x1  }
0x8a: {  	s1 =	srdreg.scid  }
0x8b: {  	s0 =	sand.u32 $0x1, s1  }
0x8c: {  	s14 =	sshll.u32 s0, $0xA;
	s2 =	sadd.s32 s3, s2  }
0x8d: {  	s2 =	sadd.s32 s2, s14  }
0x8e: {  	[smem:$0x3FBD] =	sst s2  }
0x8f: {  	_ = 	snop  }
0x90: {  	s2 =	sld [smem:$0x3FD0];
	_ =	sdelay $0x2  }
0x91: {  	s15 =	simm.s32 $0xA;
	s4 =	simm.s32 $0x10  }
0x92: {  	[smem:s4], [sflag:s15] =	dma.local [hbm:s2], $0x1  }
0x93: {  	_ =	swait.eq [sflag:s15], $0x1  }
0x94: {  	[sflag:s15] =	ssyncset.done $0x0  }
0x95: {  	s16 =	sld [smem:$0x10];
	[sflag:s15] =	ssyncadd.s32 $0xFFFFFFFF  }
0x96: {  	s17 =	sld [smem:$0x11];
	(tm) =	ssettm $0x1  }
0x97: {  	s18 =	sld [smem:$0x3FFB];
	_ =	sdelay $0x3  }
0x98: {  	_ =	strace s18  }
0x99: {  	s4 =	sld [smem:$0x3FFC];
	_ =	sdelay $0x3  }
0x9a: {  	_ =	strace s4  }
0x9b: {  	s4 =	sld [smem:$0x3FFD];
	_ =	sdelay $0x3  }
0x9c: {  	_ =	strace s4  }
0x9d: {  	_ =	strace $0x8FFFFFFF  }
0x9e: {  	s19 =	sld [smem:$0x3FDB];
	_ =	sdelay $0x1  }
0x9f: {  	s5 =	simm.s32 $_scs_section_size  }
0xa0: {  	s6 =	simm.s32 $_size__tile_overlayer_lowered;
	s7 =	simm.s32 $_tile_overlayer_lowered  }
0xa1: {  	s22 =	simm.s32 $0x1BFF;
	s21 =	sshll.u32 s7, $0x1;
	s4 =	sadd.s32 s5, s19  }
0xa2: {  	s8 =	simm.s32 $0x0;
	s20 =	sshll.u32 s6, $0x1;
	s6 =	sadd.s32 s21, s4  }
0xa3: {  	[timem:s8], [sflag:s22] =	dma.local [hbm:s6], s20  }
0xa4: {  	_ =	swait.ge [sflag:s22], s20  }
0xa5: {  	s5 =	ssub.s32 $0x0, s20;
	[sflag:s22] =	ssyncset.done $0x0  }
0xa6: {  	[sflag:s22] =	ssyncadd.s32 s5;
	_ =	sdelay $0x1  }
0xa7: {  	s23 =	simm.s32 $0x1B8B  }
0xa8: {  	_ =	swait.ge [sflag:s23], $0x1  }
0xa9: {  	[sflag:s23] =	ssyncset.done $0x0  }
0xaa: {  	s25 =	simm.s32 $0x1B8E;
	s24 =	sld [smem:$0x3FFE];
	[sflag:s23] =	ssyncadd.s32 $0xFFFFFFFF  }
0xab: {  	s26 =	simm.s32 $execute0_lowered;
	[smem:$0x3FD2] =	sst s25  }
0xac: {  	s6 =	sshll.u32 s26, $0x1;
	_ =	strace $0x80000046;
	[dreg:$0x1] =	wrdreg $0xFFFFFFFF  }
0xad: {  	s28 =	simm.s32 $_size_execute0_lowered;
	s4 =	sadd.s32 s4, s6;
	[dreg:$0x0] =	wrdreg $0x0  }
0xae: {  	s6 =	sshll.u32 s28, $0x1;
	[dreg:$0x2] =	wrdreg s4  }
0xaf: {  	[dreg:$0x3] =	wrdreg s6  }
0xb0: {  	[dreg:$0x4] =	wrdreg $0xC0  }
0xb1: {  	_ =	task [dreg:s8], $0x5FFFF  }
0xb2: {  	[dreg:$0x1] =	wrdreg $0xFFFFFFFF  }
0xb3: {  	[dreg:$0x0] =	wrdreg $0x60  }
0xb4: {  	[dreg:$0x2] =	wrdreg s17  }
0xb5: {  	[dreg:$0x3] =	wrdreg s16  }
0xb6: {  	[dreg:$0x4] =	wrdreg s24  }
0xb7: {  	[dreg:$0x5] =	wrdreg $0x94D00  }
0xb8: {  	[dreg:$0x6] =	wrdreg $0x1CD500  }
0xb9: {  	[dreg:$0x7] =	wrdreg $0x9  }
0xba: {  	_ =	task.clear_ibuf [dreg:s8], $0x8FFFF;
	_ =	strace $0x90000046  }
0xbb: {  	s29 =	simm.s32 $0x9;
	_ =	strace $0x80000048  }
0xbc: {  	_ =	swait.ge [sflag:s29], $0x1  }
0xbd: {  	[sflag:s29] =	ssyncadd.s32 $0xFFFFFFFF  }
0xbe: {  	_ =	strace $0x90000048  }
0xbf: {  	_ =	sfence  }
0xc0: {  	s30 =	sld [smem:$0x0];
	_ =	sdelay $0x2  }
0xc1: {  	s31 =	sshll.u32 s1, $0xD;
	s1 =	sshrl.u32 s1, $0x2  }
0xc2: {  	s3 =	sand.u32 $0x4000, s31;
	s1 =	sadd.s32 s1, s30  }
0xc3: {  	s0 =	sor.u32 s3, s0;
	s1 =	sshll.u32 s1, $0x11  }
0xc4: {  	s0 =	sor.u32 s1, s0  }
0xc5: {  	s0 =	sadd.s32 $0x8F2B, s0  }
0xc6: {  	[sflag:s0] =	ssyncadd.remote.s32 $0x1  }
0xc7: {  	_ =	sfence.sel $0xFFFF  }
0xc8: {  	[dreg:$0x0] =	wrdreg $0xFFFFFFFF;
	(pc) =	sbr.abs _section_cstart, $3  }
0xc9: {  	[dreg:$0x1] =	wrdreg $0xFFFFFFFF  }
0xca: {  	_ =	task.clear_ibuf [dreg:s8], $0x2FFFF;
	_ =	strace $0x9FFFFFFF  }
0xcb: {  	(tm) =	ssettm $0x7FFFFFFF  }
tec
execute0_lowered:
.L_overlay_start_1:
0x0: {  	(tag) =	ssettag $0x1  }
0x1: {  	s0 =	rddreg [dreg:$0x0]  }
0x2: {  	s1 =	rddreg [dreg:$0x1]  }
0x3: {  	s5 =	rddreg [dreg:$0x2]  }
0x4: {  	s2 =	rddreg [dreg:$0x3]  }
0x5: {  	s3 =	rddreg [dreg:$0x4];
	s14 =	stileid.u32  }
0x6: {  	s6 =	srdreg.scid;
	s9 =	smul.u32 $0x271, s14  }
0x7: {  	s4 =	simm.s32 $0x0;
	s21 =	simm.s32 $0x80;
	s11 =	smul.u32 $0x13880, s14  }
0x8: {  	s6 =	sand.u32 $0x1, s6;
	s13 =	sshll.u32 s14, $0x1;
	s14 =	smul.u32 $0x2710, s14  }
0x9: {  	s29 =	simm.s32 $0x900;
	s30 =	simm.s32 $0x980;
	s7 =	smul.u32 $0x27100, s6  }
0xa: {  	s31 =	simm.s32 $0xA00;
	[smem:$0x7FF] =	sst s4;
	s8 =	smul.u32 $0x4E20, s6  }
0xb: {  	_ =	strace $0x80000047;
	s10 =	ssub.s32 $0x2, s6;
	s6 =	sor.u32 s6, s13  }
0xc: {  	[dreg:$0x8] =	wrdreg s21;
	s21 =	simm.s32 $0x600;
	s12 =	sshrl.u32 s10, $0x1  }
0xd: {  	s28 =	sadd.s32 s11, s2;
	s23 =	sadd.s32 s14, s3;
	s24 =	sadd.s32 $0x7D, s9  }
0xe: {  	s26 =	sadd.s32 $0xFA, s9;
	s15 =	sadd.s32 $0x177, s9;
	s6 =	smul.u32 $0x500, s6  }
0xf: {  	s22 =	sadd.s32 $0x1F4, s9;
	[dreg:$0x13] =	wrdreg s21;
	s21 =	simm.s32 $0x7D  }
0x10: {  	s7 =	sadd.s32 s7, s5;
	s5 =	sadd.s32 s8, s5;
	s8 =	ssub.s32 s10, s12  }
0x11: {  	[dreg:$0x18] =	wrdreg s23;
	s25 =	sshll.u32 s24, $0x7;
	s10 =	sshll.u32 s24, $0x4  }
0x12: {  	s13 =	sshll.u32 s26, $0x4;
	s23 =	simm.s32 $0x100;
	[dreg:$0x17] =	wrdreg s28  }
0x13: {  	s17 =	sshll.u32 s15, $0x7;
	s24 =	simm.s32 $0x180;
	[dreg:$0x9] =	wrdreg s23  }
0x14: {  	s19 =	sshll.u32 s15, $0x4;
	s15 =	simm.s32 $0x480;
	[dreg:$0xa] =	wrdreg s24  }
0x15: {  	s9 =	sshll.u32 s22, $0x7;
	s12 =	sadd.s32 s25, s2;
	[dreg:$0x10] =	wrdreg s15  }
0x16: {  	s10 =	sadd.s32 s10, s3;
	s16 =	sadd.s32 s13, s3;
	[dreg:$0x19] =	wrdreg s12  }
0x17: {  	s18 =	sadd.s32 s0, s6;
	s0 =	sadd.s32 $0xA000, s0;
	[dreg:$0x1a] =	wrdreg s10  }
0x18: {  	s20 =	sadd.s32 s19, s3;
	s9 =	sadd.s32 s9, s2;
	[dreg:$0x1c] =	wrdreg s16  }
0x19: {  	s25 =	simm.s32 $0x200;
	s13 =	simm.s32 $0x400;
	[dreg:$0x6] =	wrdreg s18  }
0x1a: {  	s5 =	sadd.s32 $0x2000, s5;
	s19 =	simm.s32 $0x500;
	[dreg:$0x1e] =	wrdreg s20  }
0x1b: {  	s8 =	smax.u32 s8, $0x1;
	s23 =	simm.s32 $0x700;
	[dreg:$0x1f] =	wrdreg s9  }
0x1c: {  	s24 =	simm.s32 $0x780;
	s15 =	simm.s32 $0xF00;
	[dreg:$0xb] =	wrdreg s25  }
0x1d: {  	s12 =	sshll.u32 s26, $0x7;
	s0 =	sadd.s32 s6, s0;
	[dreg:$0xf] =	wrdreg s13  }
0x1e: {  	s6 =	sshll.u32 s22, $0x4;
	s26 =	simm.s32 $0x280;
	[smem:$0x7FB] =	sst s8  }
0x1f: {  	s9 =	sadd.s32 $0xBE00, s7;
	s16 =	sshrl.u32 s14, $0x3;
	[dreg:$0x11] =	wrdreg s19  }
0x20: {  	s20 =	simm.s32 $0x580;
	s18 =	simm.s32 $0x4;
	[dreg:$0x15] =	wrdreg s23  }
0x21: {  	s22 =	simm.s32 $0x680;
	s19 =	simm.s32 $0x8D00;
	[dreg:$0x16] =	wrdreg s24  }
0x22: {  	s23 =	simm.s32 $0x1;
	s8 =	simm.s32 $0xB80;
	[dreg:$0x7] =	wrdreg s0  }
0x23: {  	s13 =	simm.s32 $0xE00;
	s14 =	simm.s32 $0xE80;
	[dreg:$0xc] =	wrdreg s26  }
0x24: {  	s7 =	simm.s32 $0x0;
	s10 =	sadd.s32 s12, s2;
	[dreg:$0x12] =	wrdreg s20  }
0x25: {  	s6 =	sadd.s32 s6, s3;
	s12 =	sshrl.u32 s11, $0x3;
	[dreg:$0x14] =	wrdreg s22  }
0x26: {  	s20 =	simm.s32 $0x800;
	s26 =	sadd.s32 s16, s5;
	s0 =	simm.s32 $0xA80  }
0x27: {  	s5 =	simm.s32 $0xB00;
	s11 =	simm.s32 $0xD00;
	[dreg:$0x1b] =	wrdreg s10  }
0x28: {  	s16 =	simm.s32 $0xF80;
	s22 =	simm.s32 $0x3;
	[smem:$0x7FA] =	sst s6  }
0x29: {  	s10 =	sadd.s32 s17, s2;
	s6 =	simm.s32 $0x300;
	[smem:$0x7FD] =	sst s26  }
0x2a: {  	s17 =	simm.s32 $0x1000;
	s25 =	sadd.s32 s12, s9;
	[dreg:$0x1d] =	wrdreg s10  }
0x2b: {  	s26 =	simm.s32 $0x2;
	s9 =	simm.s32 $0xC00;
	[dreg:$0xd] =	wrdreg s6  }
0x2c: {  	s12 =	simm.s32 $0xD80;
	s10 =	simm.s32 $0x380;
	[smem:$0x7FC] =	sst s25  }
0x2d: {  	v0 =	vimm.f32 $0.0e+00;
	v1 =	vimm.f32 $1.000000000e+00;
	s25 =	simm.s32 $0x4E80;
	[dreg:$0xe] =	wrdreg s10;
	s10 =	simm.s32 $0xC80  }
.LBB2_1:
0x2e: {  	s6 =	simm.s32 $0x1040  }
0x2f: {  	[tilespmem:s6+$0xFFFFFFD0] =	vst v0  }
0x30: {  	[tilespmem:s6+$0xFFFFFFE0] =	vst v0  }
0x31: {  	[tilespmem:s6+$0xFFFFFFF0] =	vst v0  }
0x32: {  	[tilespmem:s6+$0x0] =	vst v0  }
0x33: {  	[tilespmem:s6+$0x10] =	vst v0  }
0x34: {  	[tilespmem:s6+$0x20] =	vst v0  }
0x35: {  	[tilespmem:s6+$0x30] =	vst v0  }
0x36: {  	[smem:$0x7F9] =	sst s7;
	s24 =	simm.s32 $0x0;
	s7 =	simm.s32 $0x40;
	[tilespmem:s6+$0xFFFFFFC0] =	vst v0  }
.LBB2_2:
0x37: {  	p0 =	sne.s32 s7, $0x1F00;
	[tilespmem:s24+$0x8D00] =	vst v0;
	s6 =	sadd.s32 $0x80, s6  }
0x38: {  	[tilespmem:s6+$0xFFFFFFD0] =	vst v0  }
0x39: {  	[tilespmem:s6+$0xFFFFFFE0] =	vst v0  }
0x3a: {  	[tilespmem:s6+$0xFFFFFFF0] =	vst v0  }
.Ltmp0:
0x3b: {  	[tilespmem:s6+$0x0] =	vst v0;
	(pc) =	sbr.rel @p0 .LBB2_2-.Ltmp0, $4  }
0x3c: {  	[tilespmem:s6+$0x10] =	vst v0  }
0x3d: {  	[tilespmem:s6+$0x20] =	vst v0  }
0x3e: {  	[tilespmem:s6+$0x30] =	vst v0  }
0x3f: {  	s24 =	sshra.s32 s7, $0x2;
	s7 =	sadd.s32 $0x40, s7;
	[tilespmem:s6+$0xFFFFFFC0] =	vst v0  }
0x40: {  	[tilespmem:s24+$0x8D00] =	vst v0  }
0x41: {  	[spmem:s28] =	stream.linear.scatter [tilespmem:s17], [sflag:$0x4], $0x3E80, $0x38;
	[tilespmem:$0x1F460] =	vst v63  }
0x42: {  	_ =	swait.ge [sflag:s18], $0x3E80  }
0x43: {  	[sflag:s18] =	ssyncset.done $0x0  }
0x44: {  	s6 =	rddreg [dreg:$0x18];
	[sflag:s18] =	ssyncadd.s32 $0xFFFFC180  }
0x45: {  	[spmem:s6] =	stream.linear.scatter [tilespmem:s19], [sflag:$0x4], $0x7D0, $0x38;
	[tilespmem:$0x1F460] =	vst v63  }
0x46: {  	_ =	swait.ge [sflag:s18], $0x7D0  }
0x47: {  	[sflag:s18] =	ssyncset.done $0x0  }
0x48: {  	s24 =	rddreg [dreg:$0x19];
	[sflag:s18] =	ssyncadd.s32 $0xFFFFF830  }
0x49: {  	[spmem:s24] =	stream.linear.scatter [tilespmem:s17], [sflag:$0x4], $0x3E80, $0x38;
	[tilespmem:$0x1F460] =	vst v63  }
0x4a: {  	_ =	swait.ge [sflag:s18], $0x3E80  }
0x4b: {  	[sflag:s18] =	ssyncset.done $0x0  }
0x4c: {  	s28 =	rddreg [dreg:$0x1a];
	[sflag:s18] =	ssyncadd.s32 $0xFFFFC180  }
0x4d: {  	[spmem:s28] =	stream.linear.scatter [tilespmem:s19], [sflag:$0x4], $0x7D0, $0x38;
	[tilespmem:$0x1F460] =	vst v63  }
0x4e: {  	_ =	swait.ge [sflag:s18], $0x7D0  }
0x4f: {  	[sflag:s18] =	ssyncset.done $0x0  }
0x50: {  	s7 =	rddreg [dreg:$0x1b];
	[sflag:s18] =	ssyncadd.s32 $0xFFFFF830  }
0x51: {  	[spmem:s7] =	stream.linear.scatter [tilespmem:s17], [sflag:$0x4], $0x3E80, $0x38;
	[tilespmem:$0x1F460] =	vst v63  }
0x52: {  	_ =	swait.ge [sflag:s18], $0x3E80  }
0x53: {  	[sflag:s18] =	ssyncset.done $0x0  }
0x54: {  	s24 =	rddreg [dreg:$0x1c];
	[sflag:s18] =	ssyncadd.s32 $0xFFFFC180  }
0x55: {  	[spmem:s24] =	stream.linear.scatter [tilespmem:s19], [sflag:$0x4], $0x7D0, $0x38;
	[tilespmem:$0x1F460] =	vst v63  }
0x56: {  	_ =	swait.ge [sflag:s18], $0x7D0  }
0x57: {  	[sflag:s18] =	ssyncset.done $0x0  }
0x58: {  	s28 =	rddreg [dreg:$0x1d];
	[sflag:s18] =	ssyncadd.s32 $0xFFFFF830  }
0x59: {  	[spmem:s28] =	stream.linear.scatter [tilespmem:s17], [sflag:$0x4], $0x3E80, $0x38;
	[tilespmem:$0x1F460] =	vst v63  }
0x5a: {  	_ =	swait.ge [sflag:s18], $0x3E80  }
0x5b: {  	[sflag:s18] =	ssyncset.done $0x0  }
0x5c: {  	s7 =	rddreg [dreg:$0x1e];
	[sflag:s18] =	ssyncadd.s32 $0xFFFFC180  }
0x5d: {  	[spmem:s7] =	stream.linear.scatter [tilespmem:s19], [sflag:$0x4], $0x7D0, $0x38;
	[tilespmem:$0x1F460] =	vst v63  }
0x5e: {  	_ =	swait.ge [sflag:s18], $0x7D0  }
0x5f: {  	[sflag:s18] =	ssyncset.done $0x0  }
0x60: {  	s24 =	rddreg [dreg:$0x1f];
	[sflag:s18] =	ssyncadd.s32 $0xFFFFF830  }
0x61: {  	[spmem:s24] =	stream.linear.scatter [tilespmem:s17], [sflag:$0x4], $0x3E80, $0x38;
	[tilespmem:$0x1F460] =	vst v63  }
0x62: {  	_ =	swait.ge [sflag:s18], $0x3E80  }
0x63: {  	s28 =	sld [smem:$0x7FA]  }
0x64: {  	[sflag:s18] =	ssyncset.done $0x0  }
0x65: {  	[sflag:s18] =	ssyncadd.s32 $0xFFFFC180  }
0x66: {  	[spmem:s28] =	stream.linear.scatter [tilespmem:s19], [sflag:$0x4], $0x7D0, $0x38;
	[tilespmem:$0x1F460] =	vst v63  }
0x67: {  	_ =	swait.ge [sflag:s18], $0x7D0  }
0x68: {  	[sflag:s18] =	ssyncset.done $0x0  }
0x69: {  	s6 =	simm.s32 $0x40;
	s7 =	simm.s32 $0x0;
	[sflag:s18] =	ssyncadd.s32 $0xFFFFF830  }
.LBB2_4:
0x6a: {  	p0 =	sne.s32 s6, $0x1F00;
	[tilespmem:s7+$0x8D00] =	vst v1;
	s7 =	smov.u32 s6;
	s6 =	sadd.s32 $0x40, s6  }
.Ltmp1:
0x6b: {  	(pc) =	sbr.rel @p0 .LBB2_4-.Ltmp1, $2  }
0x6c: {  	_ =	sdelay $0x2  }
0x6d: {  	s7 =	sshra.s32 s7, $0x2  }
0x6e: {  	[tilespmem:s7+$0x8D00] =	vst v1  }
0x6f: {  	[bflag:$0x0] =	sbarrier.arrive $0xFFFF  }
0x70: {  	s6 =	rddreg [dreg:$0x6]  }
0x71: {  	s6 =	sadd.s32 $0x0, s6  }
0x72: {  	[tilespmem:s4], [sflag:$0x4] =	stream.linear.gather [hbm4b:s6+s4], $0x800, $0x38;
	[tilespmem:$0x1F460] =	vst v63  }
0x73: {  	_ =	swait.ge [sflag:s18], $0x800  }
0x74: {  	s24 =	rddreg [dreg:$0x7];
	[sflag:s18] =	ssyncset.done $0x0  }
0x75: {  	[sflag:s18] =	ssyncadd.s32 $0xFFFFF800;
	s6 =	sadd.s32 $0x0, s24  }
0x76: {  	[tilespmem:s20], [sflag:$0x4] =	stream.linear.gather [hbm4b:s6+s4], $0x800, $0x38;
	[tilespmem:$0x1F460] =	vst v63  }
0x77: {  	_ =	swait.ge [sflag:s18], $0x800  }
0x78: {  	[sflag:s18] =	ssyncset.done $0x0  }
0x79: {  	[sflag:s18] =	ssyncadd.s32 $0xFFFFF800  }
0x7a: {  	[tilespmem:s17], [sflag:$0x1] =	stream.indirect.gather [hbm4b:s1+s21], $0x80, s4, s21, $0xb8;
	[tilespmem:$0x1F460] =	vst v63  }
0x7b: {  	_ =	swait.ge [sflag:s23], $0x3E80  }
0x7c: {  	[sflag:s23] =	ssyncset.done $0x0  }
0x7d: {  	s28 =	rddreg [dreg:$0x8];
	[sflag:s23] =	ssyncadd.s32 $0xFFFFC180  }
0x7e: {  	[tilespmem:s25], [sflag:$0x2] =	stream.indirect.gather [hbm4b:s1+s21], $0x80, s28, s21, $0xb8;
	[tilespmem:$0x1F460] =	vst v63  }
0x7f: {  	_ = 	snop  }
0x80: {  	[spmem:s3] =	stream.indirect.scatter.add.f32 [tilespmem:s19], [sflag:$0x3], $0x10, s20, s21, $0xb8;
	[tilespmem:$0x1F460] =	vst v63  }
0x81: {  	_ = 	snop  }
0x82: {  	[spmem:s2] =	stream.indirect.scatter.add.f32 [tilespmem:s17], [sflag:$0x4], $0x80, s20, s21, $0xb8;
	[tilespmem:$0x1F460] =	vst v63  }
0x83: {  	_ =	swait.ge [sflag:s18], $0x3E80  }
0x84: {  	[sflag:s18] =	ssyncset.done $0x0  }
0x85: {  	s7 =	rddreg [dreg:$0x9];
	[sflag:s18] =	ssyncadd.s32 $0xFFFFC180  }
0x86: {  	[tilespmem:s17], [sflag:$0x1] =	stream.indirect.gather [hbm4b:s1+s21], $0x80, s7, s21, $0xb8;
	[tilespmem:$0x1F460] =	vst v63  }
0x87: {  	_ =	swait.ge [sflag:s26], $0x3E80  }
0x88: {  	[sflag:s26] =	ssyncset.done $0x0  }
0x89: {  	s24 =	simm.s32 $0x880;
	[sflag:s26] =	ssyncadd.s32 $0xFFFFC180  }
0x8a: {  	[spmem:s3] =	stream.indirect.scatter.add.f32 [tilespmem:s19], [sflag:$0x3], $0x10, s24, s21, $0xb8;
	[tilespmem:$0x1F460] =	vst v63  }
0x8b: {  	_ = 	snop  }
0x8c: {  	[spmem:s2] =	stream.indirect.scatter.add.f32 [tilespmem:s25], [sflag:$0x4], $0x80, s24, s21, $0xb8;
	[tilespmem:$0x1F460] =	vst v63  }
0x8d: {  	_ =	swait.ge [sflag:s18], $0x3E80  }
0x8e: {  	[sflag:s18] =	ssyncset.done $0x0  }
0x8f: {  	[sflag:s18] =	ssyncadd.s32 $0xFFFFC180  }
0x90: {  	_ =	swait.ge [sflag:s23], $0x3E80  }
0x91: {  	[sflag:s23] =	ssyncset.done $0x0  }
0x92: {  	s28 =	rddreg [dreg:$0xa];
	[sflag:s23] =	ssyncadd.s32 $0xFFFFC180  }
0x93: {  	[tilespmem:s25], [sflag:$0x2] =	stream.indirect.gather [hbm4b:s1+s21], $0x80, s28, s21, $0xb8;
	[tilespmem:$0x1F460] =	vst v63  }
0x94: {  	_ = 	snop  }
0x95: {  	[spmem:s3] =	stream.indirect.scatter.add.f32 [tilespmem:s19], [sflag:$0x3], $0x10, s29, s21, $0xb8;
	[tilespmem:$0x1F460] =	vst v63  }
0x96: {  	_ = 	snop  }
0x97: {  	[spmem:s2] =	stream.indirect.scatter.add.f32 [tilespmem:s17], [sflag:$0x4], $0x80, s29, s21, $0xb8;
	[tilespmem:$0x1F460] =	vst v63  }
0x98: {  	_ =	swait.ge [sflag:s18], $0x3E80  }
0x99: {  	[sflag:s18] =	ssyncset.done $0x0  }
0x9a: {  	s7 =	rddreg [dreg:$0xb];
	[sflag:s18] =	ssyncadd.s32 $0xFFFFC180  }
0x9b: {  	[tilespmem:s17], [sflag:$0x1] =	stream.indirect.gather [hbm4b:s1+s21], $0x80, s7, s21, $0xb8;
	[tilespmem:$0x1F460] =	vst v63  }
0x9c: {  	_ =	swait.ge [sflag:s26], $0x3E80  }
0x9d: {  	[sflag:s26] =	ssyncset.done $0x0  }
0x9e: {  	[sflag:s26] =	ssyncadd.s32 $0xFFFFC180  }
0x9f: {  	[spmem:s3] =	stream.indirect.scatter.add.f32 [tilespmem:s19], [sflag:$0x3], $0x10, s30, s21, $0xb8;
	[tilespmem:$0x1F460] =	vst v63  }
0xa0: {  	_ = 	snop  }
0xa1: {  	[spmem:s2] =	stream.indirect.scatter.add.f32 [tilespmem:s25], [sflag:$0x4], $0x80, s30, s21, $0xb8;
	[tilespmem:$0x1F460] =	vst v63  }
0xa2: {  	_ =	swait.ge [sflag:s18], $0x3E80  }
0xa3: {  	[sflag:s18] =	ssyncset.done $0x0  }
0xa4: {  	[sflag:s18] =	ssyncadd.s32 $0xFFFFC180  }
0xa5: {  	_ =	swait.ge [sflag:s23], $0x3E80  }
0xa6: {  	[sflag:s23] =	ssyncset.done $0x0  }
0xa7: {  	s24 =	rddreg [dreg:$0xc];
	[sflag:s23] =	ssyncadd.s32 $0xFFFFC180  }
0xa8: {  	[tilespmem:s25], [sflag:$0x2] =	stream.indirect.gather [hbm4b:s1+s21], $0x80, s24, s21, $0xb8;
	[tilespmem:$0x1F460] =	vst v63  }
0xa9: {  	_ = 	snop  }
0xaa: {  	[spmem:s3] =	stream.indirect.scatter.add.f32 [tilespmem:s19], [sflag:$0x3], $0x10, s31, s21, $0xb8;
	[tilespmem:$0x1F460] =	vst v63  }
0xab: {  	_ = 	snop  }
0xac: {  	[spmem:s2] =	stream.indirect.scatter.add.f32 [tilespmem:s17], [sflag:$0x4], $0x80, s31, s21, $0xb8;
	[tilespmem:$0x1F460] =	vst v63  }
0xad: {  	_ =	swait.ge [sflag:s18], $0x3E80  }
0xae: {  	[sflag:s18] =	ssyncset.done $0x0  }
0xaf: {  	s28 =	rddreg [dreg:$0xd];
	[sflag:s18] =	ssyncadd.s32 $0xFFFFC180  }
0xb0: {  	[tilespmem:s17], [sflag:$0x1] =	stream.indirect.gather [hbm4b:s1+s21], $0x80, s28, s21, $0xb8;
	[tilespmem:$0x1F460] =	vst v63  }
0xb1: {  	_ =	swait.ge [sflag:s26], $0x3E80  }
0xb2: {  	[sflag:s26] =	ssyncset.done $0x0  }
0xb3: {  	[sflag:s26] =	ssyncadd.s32 $0xFFFFC180  }
0xb4: {  	[spmem:s3] =	stream.indirect.scatter.add.f32 [tilespmem:s19], [sflag:$0x3], $0x10, s0, s21, $0xb8;
	[tilespmem:$0x1F460] =	vst v63  }
0xb5: {  	_ = 	snop  }
0xb6: {  	[spmem:s2] =	stream.indirect.scatter.add.f32 [tilespmem:s25], [sflag:$0x4], $0x80, s0, s21, $0xb8;
	[tilespmem:$0x1F460] =	vst v63  }
0xb7: {  	_ =	swait.ge [sflag:s18], $0x3E80  }
0xb8: {  	[sflag:s18] =	ssyncset.done $0x0  }
0xb9: {  	[sflag:s18] =	ssyncadd.s32 $0xFFFFC180  }
0xba: {  	_ =	swait.ge [sflag:s23], $0x3E80  }
0xbb: {  	[sflag:s23] =	ssyncset.done $0x0  }
0xbc: {  	s7 =	rddreg [dreg:$0xe];
	[sflag:s23] =	ssyncadd.s32 $0xFFFFC180  }
0xbd: {  	[tilespmem:s25], [sflag:$0x2] =	stream.indirect.gather [hbm4b:s1+s21], $0x80, s7, s21, $0xb8;
	[tilespmem:$0x1F460] =	vst v63  }
0xbe: {  	_ = 	snop  }
0xbf: {  	[spmem:s3] =	stream.indirect.scatter.add.f32 [tilespmem:s19], [sflag:$0x3], $0x10, s5, s21, $0xb8;
	[tilespmem:$0x1F460] =	vst v63  }
0xc0: {  	_ = 	snop  }
0xc1: {  	[spmem:s2] =	stream.indirect.scatter.add.f32 [tilespmem:s17], [sflag:$0x4], $0x80, s5, s21, $0xb8;
	[tilespmem:$0x1F460] =	vst v63  }
0xc2: {  	_ =	swait.ge [sflag:s18], $0x3E80  }
0xc3: {  	[sflag:s18] =	ssyncset.done $0x0  }
0xc4: {  	s24 =	rddreg [dreg:$0xf];
	[sflag:s18] =	ssyncadd.s32 $0xFFFFC180  }
0xc5: {  	[tilespmem:s17], [sflag:$0x1] =	stream.indirect.gather [hbm4b:s1+s21], $0x80, s24, s21, $0xb8;
	[tilespmem:$0x1F460] =	vst v63  }
0xc6: {  	_ =	swait.ge [sflag:s26], $0x3E80  }
0xc7: {  	[sflag:s26] =	ssyncset.done $0x0  }
0xc8: {  	[sflag:s26] =	ssyncadd.s32 $0xFFFFC180  }
0xc9: {  	[spmem:s3] =	stream.indirect.scatter.add.f32 [tilespmem:s19], [sflag:$0x3], $0x10, s8, s21, $0xb8;
	[tilespmem:$0x1F460] =	vst v63  }
0xca: {  	_ = 	snop  }
0xcb: {  	[spmem:s2] =	stream.indirect.scatter.add.f32 [tilespmem:s25], [sflag:$0x4], $0x80, s8, s21, $0xb8;
	[tilespmem:$0x1F460] =	vst v63  }
0xcc: {  	_ =	swait.ge [sflag:s18], $0x3E80  }
0xcd: {  	[sflag:s18] =	ssyncset.done $0x0  }
0xce: {  	[sflag:s18] =	ssyncadd.s32 $0xFFFFC180  }
0xcf: {  	_ =	swait.ge [sflag:s23], $0x3E80  }
0xd0: {  	[sflag:s23] =	ssyncset.done $0x0  }
0xd1: {  	s28 =	rddreg [dreg:$0x10];
	[sflag:s23] =	ssyncadd.s32 $0xFFFFC180  }
0xd2: {  	[tilespmem:s25], [sflag:$0x2] =	stream.indirect.gather [hbm4b:s1+s21], $0x80, s28, s21, $0xb8;
	[tilespmem:$0x1F460] =	vst v63  }
0xd3: {  	_ = 	snop  }
0xd4: {  	[spmem:s3] =	stream.indirect.scatter.add.f32 [tilespmem:s19], [sflag:$0x3], $0x10, s9, s21, $0xb8;
	[tilespmem:$0x1F460] =	vst v63  }
0xd5: {  	_ = 	snop  }
0xd6: {  	[spmem:s2] =	stream.indirect.scatter.add.f32 [tilespmem:s17], [sflag:$0x4], $0x80, s9, s21, $0xb8;
	[tilespmem:$0x1F460] =	vst v63  }
0xd7: {  	_ =	swait.ge [sflag:s18], $0x3E80  }
0xd8: {  	[sflag:s18] =	ssyncset.done $0x0  }
0xd9: {  	s7 =	rddreg [dreg:$0x11];
	[sflag:s18] =	ssyncadd.s32 $0xFFFFC180  }
0xda: {  	[tilespmem:s17], [sflag:$0x1] =	stream.indirect.gather [hbm4b:s1+s21], $0x80, s7, s21, $0xb8;
	[tilespmem:$0x1F460] =	vst v63  }
0xdb: {  	_ =	swait.ge [sflag:s26], $0x3E80  }
0xdc: {  	[sflag:s26] =	ssyncset.done $0x0  }
0xdd: {  	[sflag:s26] =	ssyncadd.s32 $0xFFFFC180  }
0xde: {  	[spmem:s3] =	stream.indirect.scatter.add.f32 [tilespmem:s19], [sflag:$0x3], $0x10, s10, s21, $0xb8;
	[tilespmem:$0x1F460] =	vst v63  }
0xdf: {  	_ = 	snop  }
0xe0: {  	[spmem:s2] =	stream.indirect.scatter.add.f32 [tilespmem:s25], [sflag:$0x4], $0x80, s10, s21, $0xb8;
	[tilespmem:$0x1F460] =	vst v63  }
0xe1: {  	_ =	swait.ge [sflag:s18], $0x3E80  }
0xe2: {  	[sflag:s18] =	ssyncset.done $0x0  }
0xe3: {  	[sflag:s18] =	ssyncadd.s32 $0xFFFFC180  }
0xe4: {  	_ =	swait.ge [sflag:s23], $0x3E80  }
0xe5: {  	[sflag:s23] =	ssyncset.done $0x0  }
0xe6: {  	s24 =	rddreg [dreg:$0x12];
	[sflag:s23] =	ssyncadd.s32 $0xFFFFC180  }
0xe7: {  	[tilespmem:s25], [sflag:$0x2] =	stream.indirect.gather [hbm4b:s1+s21], $0x80, s24, s21, $0xb8;
	[tilespmem:$0x1F460] =	vst v63  }
0xe8: {  	_ = 	snop  }
0xe9: {  	[spmem:s3] =	stream.indirect.scatter.add.f32 [tilespmem:s19], [sflag:$0x3], $0x10, s11, s21, $0xb8;
	[tilespmem:$0x1F460] =	vst v63  }
0xea: {  	_ = 	snop  }
0xeb: {  	[spmem:s2] =	stream.indirect.scatter.add.f32 [tilespmem:s17], [sflag:$0x4], $0x80, s11, s21, $0xb8;
	[tilespmem:$0x1F460] =	vst v63  }
0xec: {  	_ =	swait.ge [sflag:s18], $0x3E80  }
0xed: {  	[sflag:s18] =	ssyncset.done $0x0  }
0xee: {  	s28 =	rddreg [dreg:$0x13];
	[sflag:s18] =	ssyncadd.s32 $0xFFFFC180  }
0xef: {  	[tilespmem:s17], [sflag:$0x1] =	stream.indirect.gather [hbm4b:s1+s21], $0x80, s28, s21, $0xb8;
	[tilespmem:$0x1F460] =	vst v63  }
0xf0: {  	_ =	swait.ge [sflag:s26], $0x3E80  }
0xf1: {  	[sflag:s26] =	ssyncset.done $0x0  }
0xf2: {  	[sflag:s26] =	ssyncadd.s32 $0xFFFFC180  }
0xf3: {  	[spmem:s3] =	stream.indirect.scatter.add.f32 [tilespmem:s19], [sflag:$0x3], $0x10, s12, s21, $0xb8;
	[tilespmem:$0x1F460] =	vst v63  }
0xf4: {  	_ = 	snop  }
0xf5: {  	[spmem:s2] =	stream.indirect.scatter.add.f32 [tilespmem:s25], [sflag:$0x4], $0x80, s12, s21, $0xb8;
	[tilespmem:$0x1F460] =	vst v63  }
0xf6: {  	_ =	swait.ge [sflag:s18], $0x3E80  }
0xf7: {  	[sflag:s18] =	ssyncset.done $0x0  }
0xf8: {  	[sflag:s18] =	ssyncadd.s32 $0xFFFFC180  }
0xf9: {  	_ =	swait.ge [sflag:s23], $0x3E80  }
0xfa: {  	[sflag:s23] =	ssyncset.done $0x0  }
0xfb: {  	s7 =	rddreg [dreg:$0x14];
	[sflag:s23] =	ssyncadd.s32 $0xFFFFC180  }
0xfc: {  	[tilespmem:s25], [sflag:$0x2] =	stream.indirect.gather [hbm4b:s1+s21], $0x80, s7, s21, $0xb8;
	[tilespmem:$0x1F460] =	vst v63  }
0xfd: {  	_ = 	snop  }
0xfe: {  	[spmem:s3] =	stream.indirect.scatter.add.f32 [tilespmem:s19], [sflag:$0x3], $0x10, s13, s21, $0xb8;
	[tilespmem:$0x1F460] =	vst v63  }
0xff: {  	_ = 	snop  }
0x100: {  	[spmem:s2] =	stream.indirect.scatter.add.f32 [tilespmem:s17], [sflag:$0x4], $0x80, s13, s21, $0xb8;
	[tilespmem:$0x1F460] =	vst v63  }
0x101: {  	_ =	swait.ge [sflag:s18], $0x3E80  }
0x102: {  	[sflag:s18] =	ssyncset.done $0x0  }
0x103: {  	s24 =	rddreg [dreg:$0x15];
	[sflag:s18] =	ssyncadd.s32 $0xFFFFC180  }
0x104: {  	[tilespmem:s17], [sflag:$0x1] =	stream.indirect.gather [hbm4b:s1+s21], $0x80, s24, s21, $0xb8;
	[tilespmem:$0x1F460] =	vst v63  }
0x105: {  	_ =	swait.ge [sflag:s26], $0x3E80  }
0x106: {  	[sflag:s26] =	ssyncset.done $0x0  }
0x107: {  	[sflag:s26] =	ssyncadd.s32 $0xFFFFC180  }
0x108: {  	[spmem:s3] =	stream.indirect.scatter.add.f32 [tilespmem:s19], [sflag:$0x3], $0x10, s14, s21, $0xb8;
	[tilespmem:$0x1F460] =	vst v63  }
0x109: {  	_ = 	snop  }
0x10a: {  	[spmem:s2] =	stream.indirect.scatter.add.f32 [tilespmem:s25], [sflag:$0x4], $0x80, s14, s21, $0xb8;
	[tilespmem:$0x1F460] =	vst v63  }
0x10b: {  	_ =	swait.ge [sflag:s18], $0x3E80  }
0x10c: {  	[sflag:s18] =	ssyncset.done $0x0  }
0x10d: {  	[sflag:s18] =	ssyncadd.s32 $0xFFFFC180  }
0x10e: {  	_ =	swait.ge [sflag:s23], $0x3E80  }
0x10f: {  	[sflag:s23] =	ssyncset.done $0x0  }
0x110: {  	s28 =	rddreg [dreg:$0x16];
	[sflag:s23] =	ssyncadd.s32 $0xFFFFC180  }
0x111: {  	[tilespmem:s25], [sflag:$0x2] =	stream.indirect.gather [hbm4b:s1+s21], $0x80, s28, s21, $0xb8;
	[tilespmem:$0x1F460] =	vst v63  }
0x112: {  	_ = 	snop  }
0x113: {  	[spmem:s3] =	stream.indirect.scatter.add.f32 [tilespmem:s19], [sflag:$0x3], $0x10, s15, s21, $0xb8;
	[tilespmem:$0x1F460] =	vst v63  }
0x114: {  	_ = 	snop  }
0x115: {  	[spmem:s2] =	stream.indirect.scatter.add.f32 [tilespmem:s17], [sflag:$0x4], $0x80, s15, s21, $0xb8;
	[tilespmem:$0x1F460] =	vst v63  }
0x116: {  	_ =	swait.ge [sflag:s18], $0x3E80  }
0x117: {  	[sflag:s18] =	ssyncset.done $0x0  }
0x118: {  	[sflag:s18] =	ssyncadd.s32 $0xFFFFC180  }
0x119: {  	_ =	swait.ge [sflag:s26], $0x3E80  }
0x11a: {  	[sflag:s26] =	ssyncset.done $0x0  }
0x11b: {  	[sflag:s26] =	ssyncadd.s32 $0xFFFFC180  }
0x11c: {  	[spmem:s3] =	stream.indirect.scatter.add.f32 [tilespmem:s19], [sflag:$0x3], $0x10, s16, s21, $0xb8;
	[tilespmem:$0x1F460] =	vst v63  }
0x11d: {  	_ = 	snop  }
0x11e: {  	[spmem:s2] =	stream.indirect.scatter.add.f32 [tilespmem:s25], [sflag:$0x4], $0x80, s16, s21, $0xb8;
	[tilespmem:$0x1F460] =	vst v63  }
0x11f: {  	_ =	swait.ge [sflag:s18], $0x3E80  }
0x120: {  	[sflag:s18] =	ssyncset.done $0x0  }
0x121: {  	[sflag:s18] =	ssyncadd.s32 $0xFFFFC180  }
0x122: {  	_ =	swait.ge [sflag:s22], $0x7D0  }
0x123: {  	[sflag:s22] =	ssyncset.done $0x0  }
0x124: {  	[sflag:s22] =	ssyncadd.s32 $0xFFFFF830  }
0x125: {  	_ =	swait.ge [sflag:s22], $0x7D0  }
0x126: {  	[sflag:s22] =	ssyncset.done $0x0  }
0x127: {  	[sflag:s22] =	ssyncadd.s32 $0xFFFFF830  }
0x128: {  	_ =	swait.ge [sflag:s22], $0x7D0  }
0x129: {  	[sflag:s22] =	ssyncset.done $0x0  }
0x12a: {  	[sflag:s22] =	ssyncadd.s32 $0xFFFFF830  }
0x12b: {  	_ =	swait.ge [sflag:s22], $0x7D0  }
0x12c: {  	[sflag:s22] =	ssyncset.done $0x0  }
0x12d: {  	[sflag:s22] =	ssyncadd.s32 $0xFFFFF830  }
0x12e: {  	_ =	swait.ge [sflag:s22], $0x7D0  }
0x12f: {  	[sflag:s22] =	ssyncset.done $0x0  }
0x130: {  	[sflag:s22] =	ssyncadd.s32 $0xFFFFF830  }
0x131: {  	_ =	swait.ge [sflag:s22], $0x7D0  }
0x132: {  	[sflag:s22] =	ssyncset.done $0x0  }
0x133: {  	[sflag:s22] =	ssyncadd.s32 $0xFFFFF830  }
0x134: {  	_ =	swait.ge [sflag:s22], $0x7D0  }
0x135: {  	[sflag:s22] =	ssyncset.done $0x0  }
0x136: {  	[sflag:s22] =	ssyncadd.s32 $0xFFFFF830  }
0x137: {  	_ =	swait.ge [sflag:s22], $0x7D0  }
0x138: {  	[sflag:s22] =	ssyncset.done $0x0  }
0x139: {  	[sflag:s22] =	ssyncadd.s32 $0xFFFFF830  }
0x13a: {  	_ =	swait.ge [sflag:s22], $0x7D0  }
0x13b: {  	[sflag:s22] =	ssyncset.done $0x0  }
0x13c: {  	[sflag:s22] =	ssyncadd.s32 $0xFFFFF830  }
0x13d: {  	_ =	swait.ge [sflag:s22], $0x7D0  }
0x13e: {  	[sflag:s22] =	ssyncset.done $0x0  }
0x13f: {  	[sflag:s22] =	ssyncadd.s32 $0xFFFFF830  }
0x140: {  	_ =	swait.ge [sflag:s22], $0x7D0  }
0x141: {  	[sflag:s22] =	ssyncset.done $0x0  }
0x142: {  	[sflag:s22] =	ssyncadd.s32 $0xFFFFF830  }
0x143: {  	_ =	swait.ge [sflag:s22], $0x7D0  }
0x144: {  	[sflag:s22] =	ssyncset.done $0x0  }
0x145: {  	[sflag:s22] =	ssyncadd.s32 $0xFFFFF830  }
0x146: {  	_ =	swait.ge [sflag:s22], $0x7D0  }
0x147: {  	[sflag:s22] =	ssyncset.done $0x0  }
0x148: {  	[sflag:s22] =	ssyncadd.s32 $0xFFFFF830  }
0x149: {  	_ =	swait.ge [sflag:s22], $0x7D0  }
0x14a: {  	[sflag:s22] =	ssyncset.done $0x0  }
0x14b: {  	[sflag:s22] =	ssyncadd.s32 $0xFFFFF830  }
0x14c: {  	_ =	swait.ge [sflag:s22], $0x7D0  }
0x14d: {  	[sflag:s22] =	ssyncset.done $0x0  }
0x14e: {  	[sflag:s22] =	ssyncadd.s32 $0xFFFFF830  }
0x14f: {  	s6 =	simm.s32 $0x100;
	_ =	swait.ge [sflag:s22], $0x7D0  }
0x150: {  	s7 =	simm.s32 $0x200;
	s24 =	rddreg [dreg:$0x6];
	[sflag:s22] =	ssyncset.done $0x0  }
.LBB2_6:
0x151: {  	[sflag:s22] =	ssyncadd.s32 $0xFFFFF830;
	s24 =	sadd.s32 s6, s24  }
0x152: {  	[tilespmem:s4], [sflag:$0x4] =	stream.linear.gather [hbm4b:s24+s4], $0x800, $0x38;
	[tilespmem:$0x1F460] =	vst v63  }
0x153: {  	_ =	swait.ge [sflag:s18], $0x800  }
0x154: {  	s24 =	rddreg [dreg:$0x7];
	[sflag:s18] =	ssyncset.done $0x0  }
0x155: {  	[sflag:s18] =	ssyncadd.s32 $0xFFFFF800;
	s24 =	sadd.s32 s6, s24  }
0x156: {  	[tilespmem:s20], [sflag:$0x4] =	stream.linear.gather [hbm4b:s24+s4], $0x800, $0x38;
	[tilespmem:$0x1F460] =	vst v63  }
0x157: {  	_ =	swait.ge [sflag:s18], $0x800  }
0x158: {  	[sflag:s18] =	ssyncset.done $0x0  }
0x159: {  	[sflag:s18] =	ssyncadd.s32 $0xFFFFF800  }
0x15a: {  	[tilespmem:s17], [sflag:$0x1] =	stream.indirect.gather [hbm4b:s1+s21], $0x80, s4, s21, $0xb8;
	[tilespmem:$0x1F460] =	vst v63  }
0x15b: {  	_ =	swait.ge [sflag:s23], $0x3E80  }
0x15c: {  	[sflag:s23] =	ssyncset.done $0x0  }
0x15d: {  	s24 =	rddreg [dreg:$0x8];
	[sflag:s23] =	ssyncadd.s32 $0xFFFFC180  }
0x15e: {  	[tilespmem:s25], [sflag:$0x2] =	stream.indirect.gather [hbm4b:s1+s21], $0x80, s24, s21, $0xb8;
	[tilespmem:$0x1F460] =	vst v63  }
0x15f: {  	_ = 	snop  }
0x160: {  	[spmem:s3] =	stream.indirect.scatter.add.f32 [tilespmem:s19], [sflag:$0x3], $0x10, s20, s21, $0xb8;
	[tilespmem:$0x1F460] =	vst v63  }
0x161: {  	_ = 	snop  }
0x162: {  	[spmem:s2] =	stream.indirect.scatter.add.f32 [tilespmem:s17], [sflag:$0x4], $0x80, s20, s21, $0xb8;
	[tilespmem:$0x1F460] =	vst v63  }
0x163: {  	_ =	swait.ge [sflag:s18], $0x3E80  }
0x164: {  	[sflag:s18] =	ssyncset.done $0x0  }
0x165: {  	s24 =	rddreg [dreg:$0x9];
	[sflag:s18] =	ssyncadd.s32 $0xFFFFC180  }
0x166: {  	[tilespmem:s17], [sflag:$0x1] =	stream.indirect.gather [hbm4b:s1+s21], $0x80, s24, s21, $0xb8;
	[tilespmem:$0x1F460] =	vst v63  }
0x167: {  	_ =	swait.ge [sflag:s26], $0x3E80  }
0x168: {  	s28 =	smov.u32 s7;
	[sflag:s26] =	ssyncset.done $0x0  }
0x169: {  	s6 =	smov.u32 s28;
	s28 =	simm.s32 $0x880;
	[sflag:s26] =	ssyncadd.s32 $0xFFFFC180  }
0x16a: {  	[spmem:s3] =	stream.indirect.scatter.add.f32 [tilespmem:s19], [sflag:$0x3], $0x10, s28, s21, $0xb8;
	[tilespmem:$0x1F460] =	vst v63  }
0x16b: {  	_ = 	snop  }
0x16c: {  	[spmem:s2] =	stream.indirect.scatter.add.f32 [tilespmem:s25], [sflag:$0x4], $0x80, s28, s21, $0xb8;
	[tilespmem:$0x1F460] =	vst v63  }
0x16d: {  	_ =	swait.ge [sflag:s18], $0x3E80  }
0x16e: {  	[sflag:s18] =	ssyncset.done $0x0  }
0x16f: {  	[sflag:s18] =	ssyncadd.s32 $0xFFFFC180  }
0x170: {  	_ =	swait.ge [sflag:s23], $0x3E80  }
0x171: {  	[sflag:s23] =	ssyncset.done $0x0  }
0x172: {  	s24 =	rddreg [dreg:$0xa];
	[sflag:s23] =	ssyncadd.s32 $0xFFFFC180  }
0x173: {  	[tilespmem:s25], [sflag:$0x2] =	stream.indirect.gather [hbm4b:s1+s21], $0x80, s24, s21, $0xb8;
	[tilespmem:$0x1F460] =	vst v63  }
0x174: {  	_ = 	snop  }
0x175: {  	[spmem:s3] =	stream.indirect.scatter.add.f32 [tilespmem:s19], [sflag:$0x3], $0x10, s29, s21, $0xb8;
	[tilespmem:$0x1F460] =	vst v63  }
0x176: {  	_ = 	snop  }
0x177: {  	[spmem:s2] =	stream.indirect.scatter.add.f32 [tilespmem:s17], [sflag:$0x4], $0x80, s29, s21, $0xb8;
	[tilespmem:$0x1F460] =	vst v63  }
0x178: {  	_ =	swait.ge [sflag:s18], $0x3E80  }
0x179: {  	[sflag:s18] =	ssyncset.done $0x0  }
0x17a: {  	s24 =	rddreg [dreg:$0xb];
	[sflag:s18] =	ssyncadd.s32 $0xFFFFC180  }
0x17b: {  	[tilespmem:s17], [sflag:$0x1] =	stream.indirect.gather [hbm4b:s1+s21], $0x80, s24, s21, $0xb8;
	[tilespmem:$0x1F460] =	vst v63  }
0x17c: {  	_ =	swait.ge [sflag:s26], $0x3E80  }
0x17d: {  	[sflag:s26] =	ssyncset.done $0x0  }
0x17e: {  	[sflag:s26] =	ssyncadd.s32 $0xFFFFC180  }
0x17f: {  	[spmem:s3] =	stream.indirect.scatter.add.f32 [tilespmem:s19], [sflag:$0x3], $0x10, s30, s21, $0xb8;
	[tilespmem:$0x1F460] =	vst v63  }
0x180: {  	_ = 	snop  }
0x181: {  	[spmem:s2] =	stream.indirect.scatter.add.f32 [tilespmem:s25], [sflag:$0x4], $0x80, s30, s21, $0xb8;
	[tilespmem:$0x1F460] =	vst v63  }
0x182: {  	_ =	swait.ge [sflag:s18], $0x3E80  }
0x183: {  	[sflag:s18] =	ssyncset.done $0x0  }
0x184: {  	[sflag:s18] =	ssyncadd.s32 $0xFFFFC180  }
0x185: {  	_ =	swait.ge [sflag:s23], $0x3E80  }
0x186: {  	[sflag:s23] =	ssyncset.done $0x0  }
0x187: {  	s24 =	rddreg [dreg:$0xc];
	[sflag:s23] =	ssyncadd.s32 $0xFFFFC180  }
0x188: {  	[tilespmem:s25], [sflag:$0x2] =	stream.indirect.gather [hbm4b:s1+s21], $0x80, s24, s21, $0xb8;
	[tilespmem:$0x1F460] =	vst v63  }
0x189: {  	_ = 	snop  }
0x18a: {  	[spmem:s3] =	stream.indirect.scatter.add.f32 [tilespmem:s19], [sflag:$0x3], $0x10, s31, s21, $0xb8;
	[tilespmem:$0x1F460] =	vst v63  }
0x18b: {  	_ = 	snop  }
0x18c: {  	[spmem:s2] =	stream.indirect.scatter.add.f32 [tilespmem:s17], [sflag:$0x4], $0x80, s31, s21, $0xb8;
	[tilespmem:$0x1F460] =	vst v63  }
0x18d: {  	_ =	swait.ge [sflag:s18], $0x3E80  }
0x18e: {  	[sflag:s18] =	ssyncset.done $0x0  }
0x18f: {  	s24 =	rddreg [dreg:$0xd];
	[sflag:s18] =	ssyncadd.s32 $0xFFFFC180  }
0x190: {  	[tilespmem:s17], [sflag:$0x1] =	stream.indirect.gather [hbm4b:s1+s21], $0x80, s24, s21, $0xb8;
	[tilespmem:$0x1F460] =	vst v63  }
0x191: {  	_ =	swait.ge [sflag:s26], $0x3E80  }
0x192: {  	[sflag:s26] =	ssyncset.done $0x0  }
0x193: {  	[sflag:s26] =	ssyncadd.s32 $0xFFFFC180  }
0x194: {  	[spmem:s3] =	stream.indirect.scatter.add.f32 [tilespmem:s19], [sflag:$0x3], $0x10, s0, s21, $0xb8;
	[tilespmem:$0x1F460] =	vst v63  }
0x195: {  	_ = 	snop  }
0x196: {  	[spmem:s2] =	stream.indirect.scatter.add.f32 [tilespmem:s25], [sflag:$0x4], $0x80, s0, s21, $0xb8;
	[tilespmem:$0x1F460] =	vst v63  }
0x197: {  	_ =	swait.ge [sflag:s18], $0x3E80  }
0x198: {  	[sflag:s18] =	ssyncset.done $0x0  }
0x199: {  	[sflag:s18] =	ssyncadd.s32 $0xFFFFC180  }
0x19a: {  	_ =	swait.ge [sflag:s23], $0x3E80  }
0x19b: {  	[sflag:s23] =	ssyncset.done $0x0  }
0x19c: {  	s24 =	rddreg [dreg:$0xe];
	[sflag:s23] =	ssyncadd.s32 $0xFFFFC180  }
0x19d: {  	[tilespmem:s25], [sflag:$0x2] =	stream.indirect.gather [hbm4b:s1+s21], $0x80, s24, s21, $0xb8;
	[tilespmem:$0x1F460] =	vst v63  }
0x19e: {  	_ = 	snop  }
0x19f: {  	[spmem:s3] =	stream.indirect.scatter.add.f32 [tilespmem:s19], [sflag:$0x3], $0x10, s5, s21, $0xb8;
	[tilespmem:$0x1F460] =	vst v63  }
0x1a0: {  	_ = 	snop  }
0x1a1: {  	[spmem:s2] =	stream.indirect.scatter.add.f32 [tilespmem:s17], [sflag:$0x4], $0x80, s5, s21, $0xb8;
	[tilespmem:$0x1F460] =	vst v63  }
0x1a2: {  	_ =	swait.ge [sflag:s18], $0x3E80  }
0x1a3: {  	[sflag:s18] =	ssyncset.done $0x0  }
0x1a4: {  	s24 =	rddreg [dreg:$0xf];
	[sflag:s18] =	ssyncadd.s32 $0xFFFFC180  }
0x1a5: {  	[tilespmem:s17], [sflag:$0x1] =	stream.indirect.gather [hbm4b:s1+s21], $0x80, s24, s21, $0xb8;
	[tilespmem:$0x1F460] =	vst v63  }
0x1a6: {  	_ =	swait.ge [sflag:s26], $0x3E80  }
0x1a7: {  	[sflag:s26] =	ssyncset.done $0x0  }
0x1a8: {  	[sflag:s26] =	ssyncadd.s32 $0xFFFFC180  }
0x1a9: {  	[spmem:s3] =	stream.indirect.scatter.add.f32 [tilespmem:s19], [sflag:$0x3], $0x10, s8, s21, $0xb8;
	[tilespmem:$0x1F460] =	vst v63  }
0x1aa: {  	_ = 	snop  }
0x1ab: {  	[spmem:s2] =	stream.indirect.scatter.add.f32 [tilespmem:s25], [sflag:$0x4], $0x80, s8, s21, $0xb8;
	[tilespmem:$0x1F460] =	vst v63  }
0x1ac: {  	_ =	swait.ge [sflag:s18], $0x3E80  }
0x1ad: {  	[sflag:s18] =	ssyncset.done $0x0  }
0x1ae: {  	[sflag:s18] =	ssyncadd.s32 $0xFFFFC180  }
0x1af: {  	_ =	swait.ge [sflag:s23], $0x3E80  }
0x1b0: {  	[sflag:s23] =	ssyncset.done $0x0  }
0x1b1: {  	s24 =	rddreg [dreg:$0x10];
	[sflag:s23] =	ssyncadd.s32 $0xFFFFC180  }
0x1b2: {  	[tilespmem:s25], [sflag:$0x2] =	stream.indirect.gather [hbm4b:s1+s21], $0x80, s24, s21, $0xb8;
	[tilespmem:$0x1F460] =	vst v63  }
0x1b3: {  	_ = 	snop  }
0x1b4: {  	[spmem:s3] =	stream.indirect.scatter.add.f32 [tilespmem:s19], [sflag:$0x3], $0x10, s9, s21, $0xb8;
	[tilespmem:$0x1F460] =	vst v63  }
0x1b5: {  	_ = 	snop  }
0x1b6: {  	[spmem:s2] =	stream.indirect.scatter.add.f32 [tilespmem:s17], [sflag:$0x4], $0x80, s9, s21, $0xb8;
	[tilespmem:$0x1F460] =	vst v63  }
0x1b7: {  	_ =	swait.ge [sflag:s18], $0x3E80  }
0x1b8: {  	[sflag:s18] =	ssyncset.done $0x0  }
0x1b9: {  	s24 =	rddreg [dreg:$0x11];
	[sflag:s18] =	ssyncadd.s32 $0xFFFFC180  }
0x1ba: {  	[tilespmem:s17], [sflag:$0x1] =	stream.indirect.gather [hbm4b:s1+s21], $0x80, s24, s21, $0xb8;
	[tilespmem:$0x1F460] =	vst v63  }
0x1bb: {  	_ =	swait.ge [sflag:s26], $0x3E80  }
0x1bc: {  	[sflag:s26] =	ssyncset.done $0x0  }
0x1bd: {  	[sflag:s26] =	ssyncadd.s32 $0xFFFFC180  }
0x1be: {  	[spmem:s3] =	stream.indirect.scatter.add.f32 [tilespmem:s19], [sflag:$0x3], $0x10, s10, s21, $0xb8;
	[tilespmem:$0x1F460] =	vst v63  }
0x1bf: {  	_ = 	snop  }
0x1c0: {  	[spmem:s2] =	stream.indirect.scatter.add.f32 [tilespmem:s25], [sflag:$0x4], $0x80, s10, s21, $0xb8;
	[tilespmem:$0x1F460] =	vst v63  }
0x1c1: {  	_ =	swait.ge [sflag:s18], $0x3E80  }
0x1c2: {  	[sflag:s18] =	ssyncset.done $0x0  }
0x1c3: {  	[sflag:s18] =	ssyncadd.s32 $0xFFFFC180  }
0x1c4: {  	_ =	swait.ge [sflag:s23], $0x3E80  }
0x1c5: {  	[sflag:s23] =	ssyncset.done $0x0  }
0x1c6: {  	s24 =	rddreg [dreg:$0x12];
	[sflag:s23] =	ssyncadd.s32 $0xFFFFC180  }
0x1c7: {  	[tilespmem:s25], [sflag:$0x2] =	stream.indirect.gather [hbm4b:s1+s21], $0x80, s24, s21, $0xb8;
	[tilespmem:$0x1F460] =	vst v63  }
0x1c8: {  	_ = 	snop  }
0x1c9: {  	[spmem:s3] =	stream.indirect.scatter.add.f32 [tilespmem:s19], [sflag:$0x3], $0x10, s11, s21, $0xb8;
	[tilespmem:$0x1F460] =	vst v63  }
0x1ca: {  	_ = 	snop  }
0x1cb: {  	[spmem:s2] =	stream.indirect.scatter.add.f32 [tilespmem:s17], [sflag:$0x4], $0x80, s11, s21, $0xb8;
	[tilespmem:$0x1F460] =	vst v63  }
0x1cc: {  	_ =	swait.ge [sflag:s18], $0x3E80  }
0x1cd: {  	[sflag:s18] =	ssyncset.done $0x0  }
0x1ce: {  	s24 =	rddreg [dreg:$0x13];
	[sflag:s18] =	ssyncadd.s32 $0xFFFFC180  }
0x1cf: {  	[tilespmem:s17], [sflag:$0x1] =	stream.indirect.gather [hbm4b:s1+s21], $0x80, s24, s21, $0xb8;
	[tilespmem:$0x1F460] =	vst v63  }
0x1d0: {  	_ =	swait.ge [sflag:s26], $0x3E80  }
0x1d1: {  	[sflag:s26] =	ssyncset.done $0x0  }
0x1d2: {  	[sflag:s26] =	ssyncadd.s32 $0xFFFFC180  }
0x1d3: {  	[spmem:s3] =	stream.indirect.scatter.add.f32 [tilespmem:s19], [sflag:$0x3], $0x10, s12, s21, $0xb8;
	[tilespmem:$0x1F460] =	vst v63  }
0x1d4: {  	_ = 	snop  }
0x1d5: {  	[spmem:s2] =	stream.indirect.scatter.add.f32 [tilespmem:s25], [sflag:$0x4], $0x80, s12, s21, $0xb8;
	[tilespmem:$0x1F460] =	vst v63  }
0x1d6: {  	_ =	swait.ge [sflag:s18], $0x3E80  }
0x1d7: {  	[sflag:s18] =	ssyncset.done $0x0  }
0x1d8: {  	[sflag:s18] =	ssyncadd.s32 $0xFFFFC180  }
0x1d9: {  	_ =	swait.ge [sflag:s23], $0x3E80  }
0x1da: {  	[sflag:s23] =	ssyncset.done $0x0  }
0x1db: {  	s24 =	rddreg [dreg:$0x14];
	[sflag:s23] =	ssyncadd.s32 $0xFFFFC180  }
0x1dc: {  	[tilespmem:s25], [sflag:$0x2] =	stream.indirect.gather [hbm4b:s1+s21], $0x80, s24, s21, $0xb8;
	[tilespmem:$0x1F460] =	vst v63  }
0x1dd: {  	_ = 	snop  }
0x1de: {  	[spmem:s3] =	stream.indirect.scatter.add.f32 [tilespmem:s19], [sflag:$0x3], $0x10, s13, s21, $0xb8;
	[tilespmem:$0x1F460] =	vst v63  }
0x1df: {  	_ = 	snop  }
0x1e0: {  	[spmem:s2] =	stream.indirect.scatter.add.f32 [tilespmem:s17], [sflag:$0x4], $0x80, s13, s21, $0xb8;
	[tilespmem:$0x1F460] =	vst v63  }
0x1e1: {  	_ =	swait.ge [sflag:s18], $0x3E80  }
0x1e2: {  	[sflag:s18] =	ssyncset.done $0x0  }
0x1e3: {  	s24 =	rddreg [dreg:$0x15];
	[sflag:s18] =	ssyncadd.s32 $0xFFFFC180  }
0x1e4: {  	[tilespmem:s17], [sflag:$0x1] =	stream.indirect.gather [hbm4b:s1+s21], $0x80, s24, s21, $0xb8;
	[tilespmem:$0x1F460] =	vst v63  }
0x1e5: {  	_ =	swait.ge [sflag:s26], $0x3E80  }
0x1e6: {  	[sflag:s26] =	ssyncset.done $0x0  }
0x1e7: {  	[sflag:s26] =	ssyncadd.s32 $0xFFFFC180  }
0x1e8: {  	[spmem:s3] =	stream.indirect.scatter.add.f32 [tilespmem:s19], [sflag:$0x3], $0x10, s14, s21, $0xb8;
	[tilespmem:$0x1F460] =	vst v63  }
0x1e9: {  	_ = 	snop  }
0x1ea: {  	[spmem:s2] =	stream.indirect.scatter.add.f32 [tilespmem:s25], [sflag:$0x4], $0x80, s14, s21, $0xb8;
	[tilespmem:$0x1F460] =	vst v63  }
0x1eb: {  	_ =	swait.ge [sflag:s18], $0x3E80  }
0x1ec: {  	[sflag:s18] =	ssyncset.done $0x0  }
0x1ed: {  	[sflag:s18] =	ssyncadd.s32 $0xFFFFC180  }
0x1ee: {  	_ =	swait.ge [sflag:s23], $0x3E80  }
0x1ef: {  	[sflag:s23] =	ssyncset.done $0x0  }
0x1f0: {  	s24 =	rddreg [dreg:$0x16];
	[sflag:s23] =	ssyncadd.s32 $0xFFFFC180  }
0x1f1: {  	[tilespmem:s25], [sflag:$0x2] =	stream.indirect.gather [hbm4b:s1+s21], $0x80, s24, s21, $0xb8;
	[tilespmem:$0x1F460] =	vst v63  }
0x1f2: {  	_ = 	snop  }
0x1f3: {  	[spmem:s3] =	stream.indirect.scatter.add.f32 [tilespmem:s19], [sflag:$0x3], $0x10, s15, s21, $0xb8;
	[tilespmem:$0x1F460] =	vst v63  }
0x1f4: {  	_ = 	snop  }
0x1f5: {  	[spmem:s2] =	stream.indirect.scatter.add.f32 [tilespmem:s17], [sflag:$0x4], $0x80, s15, s21, $0xb8;
	[tilespmem:$0x1F460] =	vst v63  }
0x1f6: {  	_ =	swait.ge [sflag:s18], $0x3E80  }
0x1f7: {  	[sflag:s18] =	ssyncset.done $0x0  }
0x1f8: {  	[sflag:s18] =	ssyncadd.s32 $0xFFFFC180  }
0x1f9: {  	_ =	swait.ge [sflag:s26], $0x3E80  }
0x1fa: {  	[sflag:s26] =	ssyncset.done $0x0  }
0x1fb: {  	[sflag:s26] =	ssyncadd.s32 $0xFFFFC180  }
0x1fc: {  	[spmem:s3] =	stream.indirect.scatter.add.f32 [tilespmem:s19], [sflag:$0x3], $0x10, s16, s21, $0xb8;
	[tilespmem:$0x1F460] =	vst v63  }
0x1fd: {  	_ = 	snop  }
0x1fe: {  	[spmem:s2] =	stream.indirect.scatter.add.f32 [tilespmem:s25], [sflag:$0x4], $0x80, s16, s21, $0xb8;
	[tilespmem:$0x1F460] =	vst v63  }
0x1ff: {  	_ =	swait.ge [sflag:s18], $0x3E80  }
0x200: {  	[sflag:s18] =	ssyncset.done $0x0  }
0x201: {  	[sflag:s18] =	ssyncadd.s32 $0xFFFFC180  }
0x202: {  	_ =	swait.ge [sflag:s22], $0x7D0  }
0x203: {  	[sflag:s22] =	ssyncset.done $0x0  }
0x204: {  	[sflag:s22] =	ssyncadd.s32 $0xFFFFF830  }
0x205: {  	_ =	swait.ge [sflag:s22], $0x7D0  }
0x206: {  	[sflag:s22] =	ssyncset.done $0x0  }
0x207: {  	[sflag:s22] =	ssyncadd.s32 $0xFFFFF830  }
0x208: {  	_ =	swait.ge [sflag:s22], $0x7D0  }
0x209: {  	[sflag:s22] =	ssyncset.done $0x0  }
0x20a: {  	[sflag:s22] =	ssyncadd.s32 $0xFFFFF830  }
0x20b: {  	_ =	swait.ge [sflag:s22], $0x7D0  }
0x20c: {  	[sflag:s22] =	ssyncset.done $0x0  }
0x20d: {  	[sflag:s22] =	ssyncadd.s32 $0xFFFFF830  }
0x20e: {  	_ =	swait.ge [sflag:s22], $0x7D0  }
0x20f: {  	[sflag:s22] =	ssyncset.done $0x0  }
0x210: {  	[sflag:s22] =	ssyncadd.s32 $0xFFFFF830  }
0x211: {  	_ =	swait.ge [sflag:s22], $0x7D0  }
0x212: {  	[sflag:s22] =	ssyncset.done $0x0  }
0x213: {  	[sflag:s22] =	ssyncadd.s32 $0xFFFFF830  }
0x214: {  	_ =	swait.ge [sflag:s22], $0x7D0  }
0x215: {  	[sflag:s22] =	ssyncset.done $0x0  }
0x216: {  	[sflag:s22] =	ssyncadd.s32 $0xFFFFF830  }
0x217: {  	_ =	swait.ge [sflag:s22], $0x7D0  }
0x218: {  	[sflag:s22] =	ssyncset.done $0x0  }
0x219: {  	[sflag:s22] =	ssyncadd.s32 $0xFFFFF830  }
0x21a: {  	_ =	swait.ge [sflag:s22], $0x7D0  }
0x21b: {  	[sflag:s22] =	ssyncset.done $0x0  }
0x21c: {  	[sflag:s22] =	ssyncadd.s32 $0xFFFFF830  }
0x21d: {  	_ =	swait.ge [sflag:s22], $0x7D0  }
0x21e: {  	[sflag:s22] =	ssyncset.done $0x0  }
0x21f: {  	[sflag:s22] =	ssyncadd.s32 $0xFFFFF830  }
0x220: {  	_ =	swait.ge [sflag:s22], $0x7D0  }
0x221: {  	[sflag:s22] =	ssyncset.done $0x0  }
0x222: {  	[sflag:s22] =	ssyncadd.s32 $0xFFFFF830  }
0x223: {  	_ =	swait.ge [sflag:s22], $0x7D0  }
0x224: {  	[sflag:s22] =	ssyncset.done $0x0  }
0x225: {  	[sflag:s22] =	ssyncadd.s32 $0xFFFFF830  }
0x226: {  	_ =	swait.ge [sflag:s22], $0x7D0  }
0x227: {  	[sflag:s22] =	ssyncset.done $0x0  }
0x228: {  	[sflag:s22] =	ssyncadd.s32 $0xFFFFF830  }
0x229: {  	_ =	swait.ge [sflag:s22], $0x7D0  }
0x22a: {  	[sflag:s22] =	ssyncset.done $0x0  }
0x22b: {  	p0 =	sne.s32 s7, $0x400;
	[sflag:s22] =	ssyncadd.s32 $0xFFFFF830  }
.Ltmp2:
0x22c: {  	_ =	swait.ge [sflag:s22], $0x7D0;
	(pc) =	sbr.rel @p0 .LBB2_6-.Ltmp2, $4  }
0x22d: {  	[sflag:s22] =	ssyncset.done $0x0  }
0x22e: {  	[sflag:s22] =	ssyncadd.s32 $0xFFFFF830  }
0x22f: {  	_ =	swait.ge [sflag:s22], $0x7D0  }
0x230: {  	s7 =	sadd.s32 $0x100, s7;
	s24 =	rddreg [dreg:$0x6];
	[sflag:s22] =	ssyncset.done $0x0  }
0x231: {  	[sflag:s22] =	ssyncadd.s32 $0xFFFFF830;
	s7 =	sadd.s32 s6, s24  }
0x232: {  	[tilespmem:s4], [sflag:$0x4] =	stream.linear.gather [hbm4b:s7+s4], $0x800, $0x38;
	[tilespmem:$0x1F460] =	vst v63  }
0x233: {  	_ =	swait.ge [sflag:s18], $0x800  }
0x234: {  	s24 =	rddreg [dreg:$0x7];
	[sflag:s18] =	ssyncset.done $0x0  }
0x235: {  	[sflag:s18] =	ssyncadd.s32 $0xFFFFF800;
	s7 =	sadd.s32 s6, s24  }
0x236: {  	[tilespmem:s20], [sflag:$0x4] =	stream.linear.gather [hbm4b:s7+s4], $0x800, $0x38;
	[tilespmem:$0x1F460] =	vst v63  }
0x237: {  	_ =	swait.ge [sflag:s18], $0x800  }
0x238: {  	[sflag:s18] =	ssyncset.done $0x0  }
0x239: {  	[sflag:s18] =	ssyncadd.s32 $0xFFFFF800  }
0x23a: {  	[tilespmem:s17], [sflag:$0x1] =	stream.indirect.gather [hbm4b:s1+s21], $0x80, s4, s21, $0xb8;
	[tilespmem:$0x1F460] =	vst v63  }
0x23b: {  	_ =	swait.ge [sflag:s23], $0x3E80  }
0x23c: {  	[sflag:s23] =	ssyncset.done $0x0  }
0x23d: {  	s24 =	rddreg [dreg:$0x8];
	[sflag:s23] =	ssyncadd.s32 $0xFFFFC180  }
0x23e: {  	[tilespmem:s25], [sflag:$0x2] =	stream.indirect.gather [hbm4b:s1+s21], $0x80, s24, s21, $0xb8;
	[tilespmem:$0x1F460] =	vst v63  }
0x23f: {  	_ = 	snop  }
0x240: {  	[spmem:s3] =	stream.indirect.scatter.add.f32 [tilespmem:s19], [sflag:$0x3], $0x10, s20, s21, $0xb8;
	[tilespmem:$0x1F460] =	vst v63  }
0x241: {  	_ = 	snop  }
0x242: {  	[spmem:s2] =	stream.indirect.scatter.add.f32 [tilespmem:s17], [sflag:$0x4], $0x80, s20, s21, $0xb8;
	[tilespmem:$0x1F460] =	vst v63  }
0x243: {  	_ =	swait.ge [sflag:s18], $0x3E80  }
0x244: {  	[sflag:s18] =	ssyncset.done $0x0  }
0x245: {  	s7 =	rddreg [dreg:$0x9];
	[sflag:s18] =	ssyncadd.s32 $0xFFFFC180  }
0x246: {  	[tilespmem:s17], [sflag:$0x1] =	stream.indirect.gather [hbm4b:s1+s21], $0x80, s7, s21, $0xb8;
	[tilespmem:$0x1F460] =	vst v63  }
0x247: {  	_ =	swait.ge [sflag:s26], $0x3E80  }
0x248: {  	[sflag:s26] =	ssyncset.done $0x0  }
0x249: {  	[sflag:s26] =	ssyncadd.s32 $0xFFFFC180  }
0x24a: {  	[spmem:s3] =	stream.indirect.scatter.add.f32 [tilespmem:s19], [sflag:$0x3], $0x10, s28, s21, $0xb8;
	[tilespmem:$0x1F460] =	vst v63  }
0x24b: {  	_ = 	snop  }
0x24c: {  	[spmem:s2] =	stream.indirect.scatter.add.f32 [tilespmem:s25], [sflag:$0x4], $0x80, s28, s21, $0xb8;
	[tilespmem:$0x1F460] =	vst v63  }
0x24d: {  	_ =	swait.ge [sflag:s18], $0x3E80  }
0x24e: {  	[sflag:s18] =	ssyncset.done $0x0  }
0x24f: {  	[sflag:s18] =	ssyncadd.s32 $0xFFFFC180  }
0x250: {  	_ =	swait.ge [sflag:s23], $0x3E80  }
0x251: {  	[sflag:s23] =	ssyncset.done $0x0  }
0x252: {  	s24 =	rddreg [dreg:$0xa];
	[sflag:s23] =	ssyncadd.s32 $0xFFFFC180  }
0x253: {  	[tilespmem:s25], [sflag:$0x2] =	stream.indirect.gather [hbm4b:s1+s21], $0x80, s24, s21, $0xb8;
	[tilespmem:$0x1F460] =	vst v63  }
0x254: {  	_ = 	snop  }
0x255: {  	[spmem:s3] =	stream.indirect.scatter.add.f32 [tilespmem:s19], [sflag:$0x3], $0x10, s29, s21, $0xb8;
	[tilespmem:$0x1F460] =	vst v63  }
0x256: {  	_ = 	snop  }
0x257: {  	[spmem:s2] =	stream.indirect.scatter.add.f32 [tilespmem:s17], [sflag:$0x4], $0x80, s29, s21, $0xb8;
	[tilespmem:$0x1F460] =	vst v63  }
0x258: {  	_ =	swait.ge [sflag:s18], $0x3E80  }
0x259: {  	[sflag:s18] =	ssyncset.done $0x0  }
0x25a: {  	s7 =	rddreg [dreg:$0xb];
	[sflag:s18] =	ssyncadd.s32 $0xFFFFC180  }
0x25b: {  	[tilespmem:s17], [sflag:$0x1] =	stream.indirect.gather [hbm4b:s1+s21], $0x80, s7, s21, $0xb8;
	[tilespmem:$0x1F460] =	vst v63  }
0x25c: {  	_ =	swait.ge [sflag:s26], $0x3E80  }
0x25d: {  	[sflag:s26] =	ssyncset.done $0x0  }
0x25e: {  	[sflag:s26] =	ssyncadd.s32 $0xFFFFC180  }
0x25f: {  	[spmem:s3] =	stream.indirect.scatter.add.f32 [tilespmem:s19], [sflag:$0x3], $0x10, s30, s21, $0xb8;
	[tilespmem:$0x1F460] =	vst v63  }
0x260: {  	_ = 	snop  }
0x261: {  	[spmem:s2] =	stream.indirect.scatter.add.f32 [tilespmem:s25], [sflag:$0x4], $0x80, s30, s21, $0xb8;
	[tilespmem:$0x1F460] =	vst v63  }
0x262: {  	_ =	swait.ge [sflag:s18], $0x3E80  }
0x263: {  	[sflag:s18] =	ssyncset.done $0x0  }
0x264: {  	[sflag:s18] =	ssyncadd.s32 $0xFFFFC180  }
0x265: {  	_ =	swait.ge [sflag:s23], $0x3E80  }
0x266: {  	[sflag:s23] =	ssyncset.done $0x0  }
0x267: {  	s24 =	rddreg [dreg:$0xc];
	[sflag:s23] =	ssyncadd.s32 $0xFFFFC180  }
0x268: {  	[tilespmem:s25], [sflag:$0x2] =	stream.indirect.gather [hbm4b:s1+s21], $0x80, s24, s21, $0xb8;
	[tilespmem:$0x1F460] =	vst v63  }
0x269: {  	_ = 	snop  }
0x26a: {  	[spmem:s3] =	stream.indirect.scatter.add.f32 [tilespmem:s19], [sflag:$0x3], $0x10, s31, s21, $0xb8;
	[tilespmem:$0x1F460] =	vst v63  }
0x26b: {  	_ = 	snop  }
0x26c: {  	[spmem:s2] =	stream.indirect.scatter.add.f32 [tilespmem:s17], [sflag:$0x4], $0x80, s31, s21, $0xb8;
	[tilespmem:$0x1F460] =	vst v63  }
0x26d: {  	_ =	swait.ge [sflag:s18], $0x3E80  }
0x26e: {  	[sflag:s18] =	ssyncset.done $0x0  }
0x26f: {  	s7 =	rddreg [dreg:$0xd];
	[sflag:s18] =	ssyncadd.s32 $0xFFFFC180  }
0x270: {  	[tilespmem:s17], [sflag:$0x1] =	stream.indirect.gather [hbm4b:s1+s21], $0x80, s7, s21, $0xb8;
	[tilespmem:$0x1F460] =	vst v63  }
0x271: {  	_ =	swait.ge [sflag:s26], $0x3E80  }
0x272: {  	[sflag:s26] =	ssyncset.done $0x0  }
0x273: {  	[sflag:s26] =	ssyncadd.s32 $0xFFFFC180  }
0x274: {  	[spmem:s3] =	stream.indirect.scatter.add.f32 [tilespmem:s19], [sflag:$0x3], $0x10, s0, s21, $0xb8;
	[tilespmem:$0x1F460] =	vst v63  }
0x275: {  	_ = 	snop  }
0x276: {  	[spmem:s2] =	stream.indirect.scatter.add.f32 [tilespmem:s25], [sflag:$0x4], $0x80, s0, s21, $0xb8;
	[tilespmem:$0x1F460] =	vst v63  }
0x277: {  	_ =	swait.ge [sflag:s18], $0x3E80  }
0x278: {  	[sflag:s18] =	ssyncset.done $0x0  }
0x279: {  	[sflag:s18] =	ssyncadd.s32 $0xFFFFC180  }
0x27a: {  	_ =	swait.ge [sflag:s23], $0x3E80  }
0x27b: {  	[sflag:s23] =	ssyncset.done $0x0  }
0x27c: {  	s24 =	rddreg [dreg:$0xe];
	[sflag:s23] =	ssyncadd.s32 $0xFFFFC180  }
0x27d: {  	[tilespmem:s25], [sflag:$0x2] =	stream.indirect.gather [hbm4b:s1+s21], $0x80, s24, s21, $0xb8;
	[tilespmem:$0x1F460] =	vst v63  }
0x27e: {  	_ = 	snop  }
0x27f: {  	[spmem:s3] =	stream.indirect.scatter.add.f32 [tilespmem:s19], [sflag:$0x3], $0x10, s5, s21, $0xb8;
	[tilespmem:$0x1F460] =	vst v63  }
0x280: {  	_ = 	snop  }
0x281: {  	[spmem:s2] =	stream.indirect.scatter.add.f32 [tilespmem:s17], [sflag:$0x4], $0x80, s5, s21, $0xb8;
	[tilespmem:$0x1F460] =	vst v63  }
0x282: {  	_ =	swait.ge [sflag:s18], $0x3E80  }
0x283: {  	[sflag:s18] =	ssyncset.done $0x0  }
0x284: {  	s7 =	rddreg [dreg:$0xf];
	[sflag:s18] =	ssyncadd.s32 $0xFFFFC180  }
0x285: {  	[tilespmem:s17], [sflag:$0x1] =	stream.indirect.gather [hbm4b:s1+s21], $0x80, s7, s21, $0xb8;
	[tilespmem:$0x1F460] =	vst v63  }
0x286: {  	_ =	swait.ge [sflag:s26], $0x3E80  }
0x287: {  	[sflag:s26] =	ssyncset.done $0x0  }
0x288: {  	[sflag:s26] =	ssyncadd.s32 $0xFFFFC180  }
0x289: {  	[spmem:s3] =	stream.indirect.scatter.add.f32 [tilespmem:s19], [sflag:$0x3], $0x10, s8, s21, $0xb8;
	[tilespmem:$0x1F460] =	vst v63  }
0x28a: {  	_ = 	snop  }
0x28b: {  	[spmem:s2] =	stream.indirect.scatter.add.f32 [tilespmem:s25], [sflag:$0x4], $0x80, s8, s21, $0xb8;
	[tilespmem:$0x1F460] =	vst v63  }
0x28c: {  	_ =	swait.ge [sflag:s18], $0x3E80  }
0x28d: {  	[sflag:s18] =	ssyncset.done $0x0  }
0x28e: {  	[sflag:s18] =	ssyncadd.s32 $0xFFFFC180  }
0x28f: {  	_ =	swait.ge [sflag:s23], $0x3E80  }
0x290: {  	[sflag:s23] =	ssyncset.done $0x0  }
0x291: {  	s24 =	rddreg [dreg:$0x10];
	[sflag:s23] =	ssyncadd.s32 $0xFFFFC180  }
0x292: {  	[tilespmem:s25], [sflag:$0x2] =	stream.indirect.gather [hbm4b:s1+s21], $0x80, s24, s21, $0xb8;
	[tilespmem:$0x1F460] =	vst v63  }
0x293: {  	_ = 	snop  }
0x294: {  	[spmem:s3] =	stream.indirect.scatter.add.f32 [tilespmem:s19], [sflag:$0x3], $0x10, s9, s21, $0xb8;
	[tilespmem:$0x1F460] =	vst v63  }
0x295: {  	_ = 	snop  }
0x296: {  	[spmem:s2] =	stream.indirect.scatter.add.f32 [tilespmem:s17], [sflag:$0x4], $0x80, s9, s21, $0xb8;
	[tilespmem:$0x1F460] =	vst v63  }
0x297: {  	_ =	swait.ge [sflag:s18], $0x3E80  }
0x298: {  	[sflag:s18] =	ssyncset.done $0x0  }
0x299: {  	s7 =	rddreg [dreg:$0x11];
	[sflag:s18] =	ssyncadd.s32 $0xFFFFC180  }
0x29a: {  	[tilespmem:s17], [sflag:$0x1] =	stream.indirect.gather [hbm4b:s1+s21], $0x80, s7, s21, $0xb8;
	[tilespmem:$0x1F460] =	vst v63  }
0x29b: {  	_ =	swait.ge [sflag:s26], $0x3E80  }
0x29c: {  	[sflag:s26] =	ssyncset.done $0x0  }
0x29d: {  	[sflag:s26] =	ssyncadd.s32 $0xFFFFC180  }
0x29e: {  	[spmem:s3] =	stream.indirect.scatter.add.f32 [tilespmem:s19], [sflag:$0x3], $0x10, s10, s21, $0xb8;
	[tilespmem:$0x1F460] =	vst v63  }
0x29f: {  	_ = 	snop  }
0x2a0: {  	[spmem:s2] =	stream.indirect.scatter.add.f32 [tilespmem:s25], [sflag:$0x4], $0x80, s10, s21, $0xb8;
	[tilespmem:$0x1F460] =	vst v63  }
0x2a1: {  	_ =	swait.ge [sflag:s18], $0x3E80  }
0x2a2: {  	[sflag:s18] =	ssyncset.done $0x0  }
0x2a3: {  	[sflag:s18] =	ssyncadd.s32 $0xFFFFC180  }
0x2a4: {  	_ =	swait.ge [sflag:s23], $0x3E80  }
0x2a5: {  	[sflag:s23] =	ssyncset.done $0x0  }
0x2a6: {  	s24 =	rddreg [dreg:$0x12];
	[sflag:s23] =	ssyncadd.s32 $0xFFFFC180  }
0x2a7: {  	[tilespmem:s25], [sflag:$0x2] =	stream.indirect.gather [hbm4b:s1+s21], $0x80, s24, s21, $0xb8;
	[tilespmem:$0x1F460] =	vst v63  }
0x2a8: {  	_ = 	snop  }
0x2a9: {  	[spmem:s3] =	stream.indirect.scatter.add.f32 [tilespmem:s19], [sflag:$0x3], $0x10, s11, s21, $0xb8;
	[tilespmem:$0x1F460] =	vst v63  }
0x2aa: {  	_ = 	snop  }
0x2ab: {  	[spmem:s2] =	stream.indirect.scatter.add.f32 [tilespmem:s17], [sflag:$0x4], $0x80, s11, s21, $0xb8;
	[tilespmem:$0x1F460] =	vst v63  }
0x2ac: {  	_ =	swait.ge [sflag:s18], $0x3E80  }
0x2ad: {  	[sflag:s18] =	ssyncset.done $0x0  }
0x2ae: {  	s7 =	rddreg [dreg:$0x13];
	[sflag:s18] =	ssyncadd.s32 $0xFFFFC180  }
0x2af: {  	[tilespmem:s17], [sflag:$0x1] =	stream.indirect.gather [hbm4b:s1+s21], $0x80, s7, s21, $0xb8;
	[tilespmem:$0x1F460] =	vst v63  }
0x2b0: {  	_ =	swait.ge [sflag:s26], $0x3E80  }
0x2b1: {  	[sflag:s26] =	ssyncset.done $0x0  }
0x2b2: {  	[sflag:s26] =	ssyncadd.s32 $0xFFFFC180  }
0x2b3: {  	[spmem:s3] =	stream.indirect.scatter.add.f32 [tilespmem:s19], [sflag:$0x3], $0x10, s12, s21, $0xb8;
	[tilespmem:$0x1F460] =	vst v63  }
0x2b4: {  	_ = 	snop  }
0x2b5: {  	[spmem:s2] =	stream.indirect.scatter.add.f32 [tilespmem:s25], [sflag:$0x4], $0x80, s12, s21, $0xb8;
	[tilespmem:$0x1F460] =	vst v63  }
0x2b6: {  	_ =	swait.ge [sflag:s18], $0x3E80  }
0x2b7: {  	[sflag:s18] =	ssyncset.done $0x0  }
0x2b8: {  	[sflag:s18] =	ssyncadd.s32 $0xFFFFC180  }
0x2b9: {  	_ =	swait.ge [sflag:s23], $0x3E80  }
0x2ba: {  	[sflag:s23] =	ssyncset.done $0x0  }
0x2bb: {  	s24 =	rddreg [dreg:$0x14];
	[sflag:s23] =	ssyncadd.s32 $0xFFFFC180  }
0x2bc: {  	[tilespmem:s25], [sflag:$0x2] =	stream.indirect.gather [hbm4b:s1+s21], $0x80, s24, s21, $0xb8;
	[tilespmem:$0x1F460] =	vst v63  }
0x2bd: {  	_ = 	snop  }
0x2be: {  	[spmem:s3] =	stream.indirect.scatter.add.f32 [tilespmem:s19], [sflag:$0x3], $0x10, s13, s21, $0xb8;
	[tilespmem:$0x1F460] =	vst v63  }
0x2bf: {  	_ = 	snop  }
0x2c0: {  	[spmem:s2] =	stream.indirect.scatter.add.f32 [tilespmem:s17], [sflag:$0x4], $0x80, s13, s21, $0xb8;
	[tilespmem:$0x1F460] =	vst v63  }
0x2c1: {  	_ =	swait.ge [sflag:s18], $0x3E80  }
0x2c2: {  	[sflag:s18] =	ssyncset.done $0x0  }
0x2c3: {  	s7 =	rddreg [dreg:$0x15];
	[sflag:s18] =	ssyncadd.s32 $0xFFFFC180  }
0x2c4: {  	[tilespmem:s17], [sflag:$0x1] =	stream.indirect.gather [hbm4b:s1+s21], $0x80, s7, s21, $0xb8;
	[tilespmem:$0x1F460] =	vst v63  }
0x2c5: {  	_ =	swait.ge [sflag:s26], $0x3E80  }
0x2c6: {  	[sflag:s26] =	ssyncset.done $0x0  }
0x2c7: {  	[sflag:s26] =	ssyncadd.s32 $0xFFFFC180  }
0x2c8: {  	[spmem:s3] =	stream.indirect.scatter.add.f32 [tilespmem:s19], [sflag:$0x3], $0x10, s14, s21, $0xb8;
	[tilespmem:$0x1F460] =	vst v63  }
0x2c9: {  	_ = 	snop  }
0x2ca: {  	[spmem:s2] =	stream.indirect.scatter.add.f32 [tilespmem:s25], [sflag:$0x4], $0x80, s14, s21, $0xb8;
	[tilespmem:$0x1F460] =	vst v63  }
0x2cb: {  	_ =	swait.ge [sflag:s18], $0x3E80  }
0x2cc: {  	[sflag:s18] =	ssyncset.done $0x0  }
0x2cd: {  	[sflag:s18] =	ssyncadd.s32 $0xFFFFC180  }
0x2ce: {  	_ =	swait.ge [sflag:s23], $0x3E80  }
0x2cf: {  	[sflag:s23] =	ssyncset.done $0x0  }
0x2d0: {  	s24 =	rddreg [dreg:$0x16];
	[sflag:s23] =	ssyncadd.s32 $0xFFFFC180  }
0x2d1: {  	[tilespmem:s25], [sflag:$0x2] =	stream.indirect.gather [hbm4b:s1+s21], $0x80, s24, s21, $0xb8;
	[tilespmem:$0x1F460] =	vst v63  }
0x2d2: {  	_ = 	snop  }
0x2d3: {  	[spmem:s3] =	stream.indirect.scatter.add.f32 [tilespmem:s19], [sflag:$0x3], $0x10, s15, s21, $0xb8;
	[tilespmem:$0x1F460] =	vst v63  }
0x2d4: {  	_ = 	snop  }
0x2d5: {  	[spmem:s2] =	stream.indirect.scatter.add.f32 [tilespmem:s17], [sflag:$0x4], $0x80, s15, s21, $0xb8;
	[tilespmem:$0x1F460] =	vst v63  }
0x2d6: {  	_ =	swait.ge [sflag:s18], $0x3E80  }
0x2d7: {  	[sflag:s18] =	ssyncset.done $0x0  }
0x2d8: {  	[sflag:s18] =	ssyncadd.s32 $0xFFFFC180  }
0x2d9: {  	_ =	swait.ge [sflag:s26], $0x3E80  }
0x2da: {  	[sflag:s26] =	ssyncset.done $0x0  }
0x2db: {  	[sflag:s26] =	ssyncadd.s32 $0xFFFFC180  }
0x2dc: {  	[spmem:s3] =	stream.indirect.scatter.add.f32 [tilespmem:s19], [sflag:$0x3], $0x10, s16, s21, $0xb8;
	[tilespmem:$0x1F460] =	vst v63  }
0x2dd: {  	_ = 	snop  }
0x2de: {  	[spmem:s2] =	stream.indirect.scatter.add.f32 [tilespmem:s25], [sflag:$0x4], $0x80, s16, s21, $0xb8;
	[tilespmem:$0x1F460] =	vst v63  }
0x2df: {  	_ =	swait.ge [sflag:s18], $0x3E80  }
0x2e0: {  	[sflag:s18] =	ssyncset.done $0x0  }
0x2e1: {  	[sflag:s18] =	ssyncadd.s32 $0xFFFFC180  }
0x2e2: {  	_ =	swait.ge [sflag:s22], $0x7D0  }
0x2e3: {  	[sflag:s22] =	ssyncset.done $0x0  }
0x2e4: {  	[sflag:s22] =	ssyncadd.s32 $0xFFFFF830  }
0x2e5: {  	_ =	swait.ge [sflag:s22], $0x7D0  }
0x2e6: {  	[sflag:s22] =	ssyncset.done $0x0  }
0x2e7: {  	[sflag:s22] =	ssyncadd.s32 $0xFFFFF830  }
0x2e8: {  	_ =	swait.ge [sflag:s22], $0x7D0  }
0x2e9: {  	[sflag:s22] =	ssyncset.done $0x0  }
0x2ea: {  	[sflag:s22] =	ssyncadd.s32 $0xFFFFF830  }
0x2eb: {  	_ =	swait.ge [sflag:s22], $0x7D0  }
0x2ec: {  	[sflag:s22] =	ssyncset.done $0x0  }
0x2ed: {  	[sflag:s22] =	ssyncadd.s32 $0xFFFFF830  }
0x2ee: {  	_ =	swait.ge [sflag:s22], $0x7D0  }
0x2ef: {  	[sflag:s22] =	ssyncset.done $0x0  }
0x2f0: {  	[sflag:s22] =	ssyncadd.s32 $0xFFFFF830  }
0x2f1: {  	_ =	swait.ge [sflag:s22], $0x7D0  }
0x2f2: {  	[sflag:s22] =	ssyncset.done $0x0  }
0x2f3: {  	[sflag:s22] =	ssyncadd.s32 $0xFFFFF830  }
0x2f4: {  	_ =	swait.ge [sflag:s22], $0x7D0  }
0x2f5: {  	[sflag:s22] =	ssyncset.done $0x0  }
0x2f6: {  	[sflag:s22] =	ssyncadd.s32 $0xFFFFF830  }
0x2f7: {  	_ =	swait.ge [sflag:s22], $0x7D0  }
0x2f8: {  	[sflag:s22] =	ssyncset.done $0x0  }
0x2f9: {  	[sflag:s22] =	ssyncadd.s32 $0xFFFFF830  }
0x2fa: {  	_ =	swait.ge [sflag:s22], $0x7D0  }
0x2fb: {  	[sflag:s22] =	ssyncset.done $0x0  }
0x2fc: {  	[sflag:s22] =	ssyncadd.s32 $0xFFFFF830  }
0x2fd: {  	_ =	swait.ge [sflag:s22], $0x7D0  }
0x2fe: {  	[sflag:s22] =	ssyncset.done $0x0  }
0x2ff: {  	[sflag:s22] =	ssyncadd.s32 $0xFFFFF830  }
0x300: {  	_ =	swait.ge [sflag:s22], $0x7D0  }
0x301: {  	[sflag:s22] =	ssyncset.done $0x0  }
0x302: {  	[sflag:s22] =	ssyncadd.s32 $0xFFFFF830  }
0x303: {  	_ =	swait.ge [sflag:s22], $0x7D0  }
0x304: {  	[sflag:s22] =	ssyncset.done $0x0  }
0x305: {  	[sflag:s22] =	ssyncadd.s32 $0xFFFFF830  }
0x306: {  	_ =	swait.ge [sflag:s22], $0x7D0  }
0x307: {  	[sflag:s22] =	ssyncset.done $0x0  }
0x308: {  	[sflag:s22] =	ssyncadd.s32 $0xFFFFF830  }
0x309: {  	_ =	swait.ge [sflag:s22], $0x7D0  }
0x30a: {  	[sflag:s22] =	ssyncset.done $0x0  }
0x30b: {  	[sflag:s22] =	ssyncadd.s32 $0xFFFFF830  }
0x30c: {  	_ =	swait.ge [sflag:s22], $0x7D0  }
0x30d: {  	[sflag:s22] =	ssyncset.done $0x0  }
0x30e: {  	[sflag:s22] =	ssyncadd.s32 $0xFFFFF830  }
0x30f: {  	_ =	swait.ge [sflag:s22], $0x7D0  }
0x310: {  	[sflag:s22] =	ssyncset.done $0x0  }
0x311: {  	[sflag:s22] =	ssyncadd.s32 $0xFFFFF830  }
0x312: {  	[bflag:$0x0] =	sbarrier.arrive $0xFFFF  }
0x313: {  	s7 =	stileid.u32;
	s24 =	sld [smem:$0x7FC]  }
0x314: {  	s6 =	sshll.u32 s7, $0x6;
	s28 =	rddreg [dreg:$0x17]  }
0x315: {  	s6 =	sor.u32 $0x1C04, s6;
	s7 =	sshrl.u32 s28, $0x3  }
0x316: {  	[hbm:s24], [sflag:s6] =	dma.local [spmem:s7], $0x2710  }
0x317: {  	_ =	swait.ge [sflag:s18], $0x2710  }
0x318: {  	s24 =	rddreg [dreg:$0x18]  }
0x319: {  	s7 =	sshrl.u32 s24, $0x3;
	s24 =	sld [smem:$0x7FD]  }
0x31a: {  	[sflag:s18] =	ssyncset.done $0x0  }
0x31b: {  	[sflag:s18] =	ssyncadd.s32 $0xFFFFD8F0  }
0x31c: {  	[hbm:s24], [sflag:s6] =	dma.local [spmem:s7], $0x4E2  }
0x31d: {  	_ =	swait.ge [sflag:s18], $0x4E2  }
0x31e: {  	s6 =	sld [smem:$0x7F9]  }
0x31f: {  	s24 =	sld [smem:$0x7FB];
	_ =	sdelay $0x1  }
0x320: {  	s7 =	sadd.s32 $0x1, s6  }
0x321: {  	p0 =	sne.s32 s7, s24  }
.Ltmp3:
0x322: {  	_ = 	snop;
	(pc) =	sbr.rel @p0 .LBB2_1-.Ltmp3, $3  }
0x323: {  	_ =	sdelay $0x1  }
0x324: {  	[sflag:s18] =	ssyncset.done $0x0  }
0x325: {  	[sflag:s18] =	ssyncadd.s32 $0xFFFFFB1E  }
0x326: {  	_ =	sfence.sel $0x180000  }
0x327: {  	[bflag:$0x0] =	sbarrier.arrive $0xFFFF  }
0x328: {  	_ =	strace $0x90000047  }
0x329: {  	s0 =	stileid.u32;
	[bflag:$0x2] =	sbarrier.arrive $0xFFFF  }
0x32a: {  	p0 =	sne.s32 s0, $0x0;
	s0 =	rddreg [dreg:$0x5]  }
0x32b: {  	s0 =	sadd.s32 @!p0 $0x100000, s0  }
0x32c: {  	[sflag:s0] =	ssyncadd.tile.s32 @!p0 $0x1;
	_ =	shalt  }
.Lfunc_end2:
_tile_overlayer_lowered:
.L_overlay_start_2:
0x32d: {  	(tag) =	ssettag $0x2  }
0x32e: {  	s0 =	rddreg [dreg:$0x0];
	s2 =	stileid.u32  }
0x32f: {  	s1 =	rddreg [dreg:$0x1];
	p0 =	sne.s32 s2, $0x0  }
0x330: {  	s3 =	rddreg [dreg:$0x2];
	[bflag:$0x3] =	sbarrier.arrive $0xFFFF;
	s2 =	simm.s32 @!p0 $0x1C04  }
0x331: {  	[timem:s3], [sflag:s2] =	dma.local @!p0 [hbm:s0], s1  }
0x332: {  	s0 =	simm.s32 @!p0 $0x4  }
0x333: {  	_ =	swait.ge @!p0 [sflag:s0], s1  }
0x334: {  	s1 =	ssub.s32 @!p0 $0x0, s1;
	[sflag:s0] =	ssyncset.done @!p0 $0x0  }
0x335: {  	[sflag:s0] =	ssyncadd.s32 @!p0 s1  }
0x336: {  	[bflag:$0x3] =	sbarrier.arrive $0xFFFF  }
0x337: {  	_ =	shalt  }

</sc_bundles>
